<compile_context>
chip_gen: v7x
topology: tpu7x:2x2x1
jax: 0.10.2.dev20260603
libtpu: 0.0.44.dev20260713+nightly
codegen_flags: <defaults>
</compile_context>

<pallas_src>
import functools

import jax
import jax.numpy as jnp
from jax import lax
from jax.experimental import pallas as pl
from jax.experimental.pallas import tpu as pltpu
from jax.experimental.pallas import tpu_sc as plsc

EMB = 64
HID = 256
TAGS = 20
B = 4096
L = 200
HA = 128
HB = 72
LANES = 16
NC = 2
NS = 16
NW = NC * NS
SPW = B // NW


LP = 256


EMBP = 128


def _embedding_bag_sc(xp, embp):
    mesh = plsc.VectorSubcoreMesh(core_axis_name="c", subcore_axis_name="s")

    @functools.partial(
        pl.kernel,
        out_type=jax.ShapeDtypeStruct((B, EMB), jnp.float32),
        mesh=mesh,
        compiler_params=pltpu.CompilerParams(use_tc_tiling_on_sc=True),
        scratch_types=[
            pltpu.VMEM((SPW, LP), jnp.int32),
            pltpu.VMEM((2, L, EMBP), jnp.float32),
            pltpu.VMEM((SPW, EMB), jnp.float32),
            pltpu.SemaphoreType.DMA,
            pltpu.SemaphoreType.DMA,
        ],
    )
    def bag(x_hbm, emb_hbm, out_hbm, idx_v, rows_v, out_v, sem0, sem1):
        wid = lax.axis_index("s") * NC + lax.axis_index("c")
        base = wid * SPW
        pltpu.sync_copy(x_hbm.at[pl.ds(base, SPW)], idx_v)
        sems = (sem0, sem1)

        def issue(s, b):
            pltpu.async_copy(
                emb_hbm.at[idx_v.at[s, pl.ds(0, HA)]],
                rows_v.at[b, pl.ds(0, HA)], sems[b])
            pltpu.async_copy(
                emb_hbm.at[idx_v.at[s, pl.ds(HA, HB)]],
                rows_v.at[b, pl.ds(HA, HB)], sems[b])

        def drain(b):
            pltpu.make_async_copy(
                emb_hbm.at[pl.ds(0, L)], rows_v.at[b], sems[b]).wait()

        def reduce_store(s, b):
            def rbody(i, accs):
                r = i * 8
                out = []
                for k in range(4):
                    v = [rows_v[b, r + j, pl.ds(LANES * k, LANES)]
                         for j in range(8)]
                    t = ((v[0] + v[1]) + (v[2] + v[3])) \
                        + ((v[4] + v[5]) + (v[6] + v[7]))
                    out.append(accs[k] + t)
                return tuple(out)

            zero = jnp.zeros((LANES,), jnp.float32)
            accs = lax.fori_loop(0, L // 8, rbody, (zero,) * 4)
            for k in range(4):
                out_v[s, pl.ds(LANES * k, LANES)] = accs[k]

        issue(0, 0)

        def body2(i, carry):
            s0 = 2 * i
            issue(s0 + 1, 1)
            drain(0)
            reduce_store(s0, 0)

            @pl.when(i + 1 < SPW // 2)
            def _():
                issue(s0 + 2, 0)

            drain(1)
            reduce_store(s0 + 1, 1)
            return carry

        lax.fori_loop(0, SPW // 2, body2, 0)
        pltpu.sync_copy(out_v, out_hbm.at[pl.ds(base, SPW)])

    return bag(xp, embp)


def _pad_table_tc(embT):
    V = embT.shape[1]
    blkv = 16384

    def body(t_ref, o_ref):
        o_ref[:, 0:EMB] = t_ref[...].T

    return pl.pallas_call(
        body,
        grid=(pl.cdiv(V, blkv),),
        in_specs=[pl.BlockSpec((EMB, blkv), lambda i: (0, i))],
        out_specs=pl.BlockSpec((blkv, EMBP), lambda i: (i, 0)),
        out_shape=jax.ShapeDtypeStruct((V, EMBP), jnp.float32),
    )(embT)


def _mlp_tc(sums, W1, b1, W2, b2):
    blk = 512

    def mlp_body(s_ref, w1_ref, b1_ref, w2_ref, b2_ref, o_ref):
        xa = s_ref[...] * (1.0 / L)
        h = jnp.dot(xa, w1_ref[...], preferred_element_type=jnp.float32)
        h = jnp.maximum(h + b1_ref[...], 0.0)
        o_ref[...] = (
            jnp.dot(h, w2_ref[...], preferred_element_type=jnp.float32)
            + b2_ref[...])

    return pl.pallas_call(
        mlp_body,
        grid=(B // blk,),
        in_specs=[
            pl.BlockSpec((blk, EMB), lambda i: (i, 0)),
            pl.BlockSpec((EMB, HID), lambda i: (0, 0)),
            pl.BlockSpec((1, HID), lambda i: (0, 0)),
            pl.BlockSpec((HID, TAGS), lambda i: (0, 0)),
            pl.BlockSpec((1, TAGS), lambda i: (0, 0)),
        ],
        out_specs=pl.BlockSpec((blk, TAGS), lambda i: (i, 0)),
        out_shape=jax.ShapeDtypeStruct((B, TAGS), jnp.float32),
    )(sums, W1, b1, W2, b2)


def kernel(x, emb, W1, b1, W2, b2):
    xp = jnp.pad(x, ((0, 0), (0, LP - L)))
    embp = _pad_table_tc(emb.T)
    sums = _embedding_bag_sc(xp, embp)
    return _mlp_tc(sums, W1, b1.reshape(1, HID), W2, b2.reshape(1, TAGS))

# --- scband reference (transcript-rebuilt; emitter-appended) ---
"""Pipeline reference for scband-dan-model-70471823393125 (READ-ONLY COPY).

The authoritative reference and input builder live on the scoring server;
editing this copy changes nothing except your own understanding.
"""

import jax, jax.numpy as jnp
import numpy as np

VOCAB = 1000000
EMB = 64
HID = 256
TAGS = 20
B = 4096
L = 200
PAD = 0


def setup_inputs(seed: int = 0) -> dict:
    key = jax.random.key(seed)
    k1, k2, k3, k4, k5, k6 = jax.random.split(key, 6)
    x = jax.random.randint(k1, (B, L), 0, VOCAB, dtype=jnp.int32)
    # embedding table, uniform init like nn.Embedding + xavier-ish scale
    emb = jax.random.uniform(k2, (VOCAB, EMB), jnp.float32, minval=-0.05, maxval=0.05)
    emb = emb.at[PAD].set(0.0)  # padding_idx row zeroed
    # fc1: Linear(EMB -> HID); stored transposed so y = x @ W1 + b1
    lim1 = float(np.sqrt(6.0 / (EMB + HID)))
    W1 = jax.random.uniform(k3, (EMB, HID), jnp.float32, minval=-lim1, maxval=lim1)
    b1 = jnp.zeros((HID,), jnp.float32)
    # fc2: Linear(HID -> TAGS)
    lim2 = float(np.sqrt(6.0 / (HID + TAGS)))
    W2 = jax.random.uniform(k4, (HID, TAGS), jnp.float32, minval=-lim2, maxval=lim2)
    b2 = jnp.zeros((TAGS,), jnp.float32)
    return {"x": x, "emb": emb, "W1": W1, "b1": b1, "W2": W2, "b2": b2}


def reference(x, emb, W1, b1, W2, b2):
    # embedding lookup: gather rows of the table
    e = jnp.take(emb, x, axis=0)          # [B, L, EMB]
    # pooling_method == 'avg'
    x_agg = jnp.mean(e, axis=1)            # [B, EMB]
    h = jax.nn.relu(x_agg @ W1 + b1)       # [B, HID]
    out = h @ W2 + b2                      # [B, TAGS]
    return out

if __name__ == "__main__":
    import jax
    _d = setup_inputs()
    print(jax.jit(kernel)(*tuple(_d.values())))

</pallas_src>

<mosaic_0001>
#map = affine_map<(d0, d1) -> (0, 0)>
module attributes {stable_mosaic.version = 14 : i64} {
  func.func @bag(%arg0: i32, %arg1: i32, %arg2: memref<4096x256xi32, #tpu.memory_space<hbm>>, %arg3: memref<1000000x128xf32, #tpu.memory_space<hbm>>, %arg4: memref<4096x64xf32, #tpu.memory_space<hbm>>, %arg5: memref<128x256xi32, #tpu.memory_space<vmem>>, %arg6: memref<2x200x128xf32, #tpu.memory_space<vmem>>, %arg7: memref<128x64xf32, #tpu.memory_space<vmem>>, %arg8: memref<!tpu.dma_semaphore, #tpu.memory_space<semaphore_mem>>, %arg9: memref<!tpu.dma_semaphore, #tpu.memory_space<semaphore_mem>>) attributes {dimension_semantics = [#tpu.dimension_semantics<core_parallel>, #tpu.dimension_semantics<subcore_parallel>], iteration_bounds = array<i64: 2, 16>, scalar_prefetch = 0 : i64, scratch_operands = 5 : i64, tpu.core_type = #tpu.core_type<sc_vector_subcore>, window_params = [{transform_indices = #map}, {transform_indices = #map}, {transform_indices = #map}]} {
    %mul3A = arith.constant 2 : i32
    %mul3A_0 = arith.muli %arg1, %mul3A : i32
    %add3A = arith.addi %mul3A_0, %arg0 : i32
    %mul3A_1 = arith.constant 128 : i32
    %mul3A_2 = arith.muli %add3A, %mul3A_1 : i32
    "tpu.region"() ({
      %run_scoped3A = tpu.sem_alloc : memref<!tpu.dma_semaphore, #tpu.memory_space<semaphore_mem>>
      %dma_start3A_31 = arith.constant 0 : i32
      %dma_start3A_32 = tpu.memref_slice %arg2[%mul3A_2, %dma_start3A_31] : memref<4096x256xi32, #tpu.memory_space<hbm>> -> memref<128x256xi32, #tpu.memory_space<hbm>>
      %dma_start3A_33 = arith.constant 0 : i32
      %dma_start3A_34 = tpu.memref_slice %arg2[%mul3A_2, %dma_start3A_33] : memref<4096x256xi32, #tpu.memory_space<hbm>> -> memref<128x256xi32, #tpu.memory_space<hbm>>
      tpu.enqueue_dma source(%dma_start3A_34 : memref<128x256xi32, #tpu.memory_space<hbm>>) target(%arg5 : memref<128x256xi32, #tpu.memory_space<vmem>>) target_semaphore(%run_scoped3A : memref<!tpu.dma_semaphore, #tpu.memory_space<semaphore_mem>>)
      %dma_wait3A = arith.constant 0 : i32
      %dma_wait3A_35 = tpu.memref_slice %arg2[%mul3A_2, %dma_wait3A] : memref<4096x256xi32, #tpu.memory_space<hbm>> -> memref<128x256xi32, #tpu.memory_space<hbm>>
      %dma_wait3A_36 = arith.constant 0 : i32
      %dma_wait3A_37 = tpu.memref_slice %arg2[%mul3A_2, %dma_wait3A_36] : memref<4096x256xi32, #tpu.memory_space<hbm>> -> memref<128x256xi32, #tpu.memory_space<hbm>>
      tpu.wait_dma2 semaphore(%run_scoped3A : memref<!tpu.dma_semaphore, #tpu.memory_space<semaphore_mem>>) src(%dma_wait3A_37 : memref<128x256xi32, #tpu.memory_space<hbm>>) dst(%arg5 : memref<128x256xi32, #tpu.memory_space<vmem>>)
      tpu.yield
    }) : () -> ()
    %dma_start3A = arith.constant 0 : i32
    %dma_start3A_3 = arith.constant 0 : i32
    %dma_start3A_4 = arith.constant 0 : i32
    %dma_start3A_5 = arith.constant 0 : i32
    %dma_start3A_6 = tpu.memref_slice %arg6[%dma_start3A_3, %dma_start3A_4, %dma_start3A_5] : memref<2x200x128xf32, #tpu.memory_space<vmem>> -> memref<1x128x128xf32, #tpu.memory_space<vmem>>
    %dma_start3A_7 = tpu.memref_squeeze %dma_start3A_6 : memref<1x128x128xf32, #tpu.memory_space<vmem>> -> memref<128x128xf32, #tpu.memory_space<vmem>>
    %dma_start3A_8 = arith.constant 0 : i32
    %dma_start3A_9 = tpu.memref_slice %arg5[%dma_start3A, %dma_start3A_8] : memref<128x256xi32, #tpu.memory_space<vmem>> -> memref<1x128xi32, #tpu.memory_space<vmem>>
    %dma_start3A_10 = tpu.memref_squeeze %dma_start3A_9 : memref<1x128xi32, #tpu.memory_space<vmem>> -> memref<128xi32, #tpu.memory_space<vmem>>
    %dma_start3A_11 = arith.constant 0 : i32
    %dma_start3A_12 = arith.constant 0 : i32
    %dma_start3A_13 = tpu.memref_slice %arg3[%dma_start3A_11, %dma_start3A_12] : memref<1000000x128xf32, #tpu.memory_space<hbm>> -> memref<1000000x128xf32, #tpu.memory_space<hbm>>
    tpu.enqueue_indirect_dma source(%dma_start3A_13 : memref<1000000x128xf32, #tpu.memory_space<hbm>>) target(%dma_start3A_7 : memref<128x128xf32, #tpu.memory_space<vmem>>) offsets(%dma_start3A_10 : memref<128xi32, #tpu.memory_space<vmem>>) semaphore(%arg8 : memref<!tpu.dma_semaphore, #tpu.memory_space<semaphore_mem>>)
    %dma_start3A_14 = arith.constant 0 : i32
    %dma_start3A_15 = arith.constant 0 : i32
    %dma_start3A_16 = arith.constant 128 : i32
    %dma_start3A_17 = arith.constant 0 : i32
    %dma_start3A_18 = tpu.memref_slice %arg6[%dma_start3A_15, %dma_start3A_16, %dma_start3A_17] : memref<2x200x128xf32, #tpu.memory_space<vmem>> -> memref<1x72x128xf32, #tpu.memory_space<vmem>>
    %dma_start3A_19 = tpu.memref_squeeze %dma_start3A_18 : memref<1x72x128xf32, #tpu.memory_space<vmem>> -> memref<72x128xf32, #tpu.memory_space<vmem>>
    %dma_start3A_20 = arith.constant 128 : i32
    %dma_start3A_21 = tpu.memref_slice %arg5[%dma_start3A_14, %dma_start3A_20] : memref<128x256xi32, #tpu.memory_space<vmem>> -> memref<1x72xi32, #tpu.memory_space<vmem>>
    %dma_start3A_22 = tpu.memref_squeeze %dma_start3A_21 : memref<1x72xi32, #tpu.memory_space<vmem>> -> memref<72xi32, #tpu.memory_space<vmem>>
    %dma_start3A_23 = arith.constant 0 : i32
    %dma_start3A_24 = arith.constant 0 : i32
    %dma_start3A_25 = tpu.memref_slice %arg3[%dma_start3A_23, %dma_start3A_24] : memref<1000000x128xf32, #tpu.memory_space<hbm>> -> memref<1000000x128xf32, #tpu.memory_space<hbm>>
    tpu.enqueue_indirect_dma source(%dma_start3A_25 : memref<1000000x128xf32, #tpu.memory_space<hbm>>) target(%dma_start3A_19 : memref<72x128xf32, #tpu.memory_space<vmem>>) offsets(%dma_start3A_22 : memref<72xi32, #tpu.memory_space<vmem>>) semaphore(%arg8 : memref<!tpu.dma_semaphore, #tpu.memory_space<semaphore_mem>>)
    %scan3A = arith.constant 0 : i32
    %scan3A_26 = arith.constant 0 : i32
    %scan3A_27 = arith.constant 64 : i32
    %scan3A_28 = arith.addi %scan3A_26, %scan3A_27 : i32
    %scan3A_29 = arith.constant 1 : i32
    scf.for %scan3A_31 = %scan3A_26 to %scan3A_28 step %scan3A_29  : i32 {
      %mul3A_32 = arith.constant 2 : i32
      %mul3A_33 = arith.muli %mul3A_32, %scan3A_31 : i32
      %add3A_34 = arith.constant 1 : i32
      %add3A_35 = arith.addi %mul3A_33, %add3A_34 : i32
      %dma_start3A_36 = arith.constant 1 : i32
      %dma_start3A_37 = arith.constant 0 : i32
      %dma_start3A_38 = arith.constant 0 : i32
      %dma_start3A_39 = tpu.memref_slice %arg6[%dma_start3A_36, %dma_start3A_37, %dma_start3A_38] : memref<2x200x128xf32, #tpu.memory_space<vmem>> -> memref<1x128x128xf32, #tpu.memory_space<vmem>>
      %dma_start3A_40 = tpu.memref_squeeze %dma_start3A_39 : memref<1x128x128xf32, #tpu.memory_space<vmem>> -> memref<128x128xf32, #tpu.memory_space<vmem>>
      %dma_start3A_41 = arith.constant 0 : i32
      %dma_start3A_42 = tpu.memref_slice %arg5[%add3A_35, %dma_start3A_41] : memref<128x256xi32, #tpu.memory_space<vmem>> -> memref<1x128xi32, #tpu.memory_space<vmem>>
      %dma_start3A_43 = tpu.memref_squeeze %dma_start3A_42 : memref<1x128xi32, #tpu.memory_space<vmem>> -> memref<128xi32, #tpu.memory_space<vmem>>
      %dma_start3A_44 = arith.constant 0 : i32
      %dma_start3A_45 = arith.constant 0 : i32
      %dma_start3A_46 = tpu.memref_slice %arg3[%dma_start3A_44, %dma_start3A_45] : memref<1000000x128xf32, #tpu.memory_space<hbm>> -> memref<1000000x128xf32, #tpu.memory_space<hbm>>
      tpu.enqueue_indirect_dma source(%dma_start3A_46 : memref<1000000x128xf32, #tpu.memory_space<hbm>>) target(%dma_start3A_40 : memref<128x128xf32, #tpu.memory_space<vmem>>) offsets(%dma_start3A_43 : memref<128xi32, #tpu.memory_space<vmem>>) semaphore(%arg9 : memref<!tpu.dma_semaphore, #tpu.memory_space<semaphore_mem>>)
      %dma_start3A_47 = arith.constant 1 : i32
      %dma_start3A_48 = arith.constant 128 : i32
      %dma_start3A_49 = arith.constant 0 : i32
      %dma_start3A_50 = tpu.memref_slice %arg6[%dma_start3A_47, %dma_start3A_48, %dma_start3A_49] : memref<2x200x128xf32, #tpu.memory_space<vmem>> -> memref<1x72x128xf32, #tpu.memory_space<vmem>>
      %dma_start3A_51 = tpu.memref_squeeze %dma_start3A_50 : memref<1x72x128xf32, #tpu.memory_space<vmem>> -> memref<72x128xf32, #tpu.memory_space<vmem>>
      %dma_start3A_52 = arith.constant 128 : i32
      %dma_start3A_53 = tpu.memref_slice %arg5[%add3A_35, %dma_start3A_52] : memref<128x256xi32, #tpu.memory_space<vmem>> -> memref<1x72xi32, #tpu.memory_space<vmem>>
      %dma_start3A_54 = tpu.memref_squeeze %dma_start3A_53 : memref<1x72xi32, #tpu.memory_space<vmem>> -> memref<72xi32, #tpu.memory_space<vmem>>
      %dma_start3A_55 = arith.constant 0 : i32
      %dma_start3A_56 = arith.constant 0 : i32
      %dma_start3A_57 = tpu.memref_slice %arg3[%dma_start3A_55, %dma_start3A_56] : memref<1000000x128xf32, #tpu.memory_space<hbm>> -> memref<1000000x128xf32, #tpu.memory_space<hbm>>
      tpu.enqueue_indirect_dma source(%dma_start3A_57 : memref<1000000x128xf32, #tpu.memory_space<hbm>>) target(%dma_start3A_51 : memref<72x128xf32, #tpu.memory_space<vmem>>) offsets(%dma_start3A_54 : memref<72xi32, #tpu.memory_space<vmem>>) semaphore(%arg9 : memref<!tpu.dma_semaphore, #tpu.memory_space<semaphore_mem>>)
      %dma_wait3A = arith.constant 0 : i32
      %dma_wait3A_58 = arith.constant 0 : i32
      %dma_wait3A_59 = arith.constant 0 : i32
      %dma_wait3A_60 = tpu.memref_slice %arg6[%dma_wait3A, %dma_wait3A_58, %dma_wait3A_59] : memref<2x200x128xf32, #tpu.memory_space<vmem>> -> memref<1x200x128xf32, #tpu.memory_space<vmem>>
      %dma_wait3A_61 = tpu.memref_squeeze %dma_wait3A_60 : memref<1x200x128xf32, #tpu.memory_space<vmem>> -> memref<200x128xf32, #tpu.memory_space<vmem>>
      %dma_wait3A_62 = arith.constant 0 : i32
      %dma_wait3A_63 = arith.constant 0 : i32
      %dma_wait3A_64 = tpu.memref_slice %arg3[%dma_wait3A_62, %dma_wait3A_63] : memref<1000000x128xf32, #tpu.memory_space<hbm>> -> memref<200x128xf32, #tpu.memory_space<hbm>>
      %dma_wait3A_65 = arith.constant 0 : i32
      %dma_wait3A_66 = arith.constant 0 : i32
      %dma_wait3A_67 = tpu.memref_slice %arg6[%dma_wait3A, %dma_wait3A_65, %dma_wait3A_66] : memref<2x200x128xf32, #tpu.memory_space<vmem>> -> memref<1x200x128xf32, #tpu.memory_space<vmem>>
      %dma_wait3A_68 = tpu.memref_squeeze %dma_wait3A_67 : memref<1x200x128xf32, #tpu.memory_space<vmem>> -> memref<200x128xf32, #tpu.memory_space<vmem>>
      %dma_wait3A_69 = arith.constant 0 : i32
      %dma_wait3A_70 = arith.constant 0 : i32
      %dma_wait3A_71 = tpu.memref_slice %arg3[%dma_wait3A_69, %dma_wait3A_70] : memref<1000000x128xf32, #tpu.memory_space<hbm>> -> memref<200x128xf32, #tpu.memory_space<hbm>>
      tpu.wait_dma2 semaphore(%arg8 : memref<!tpu.dma_semaphore, #tpu.memory_space<semaphore_mem>>) src(%dma_wait3A_71 : memref<200x128xf32, #tpu.memory_space<hbm>>) dst(%dma_wait3A_68 : memref<200x128xf32, #tpu.memory_space<vmem>>)
      %broadcast_in_dim3A = arith.constant 0.000000e+00 : f32
      %broadcast_in_dim3A_72 = vector.broadcast %broadcast_in_dim3A : f32 to vector<16xf32>
      %scan3A_73 = arith.constant 0 : i32
      %scan3A_74 = arith.constant 25 : i32
      %scan3A_75 = arith.addi %scan3A_73, %scan3A_74 : i32
      %scan3A_76 = arith.constant 1 : i32
      %scan3A_77:4 = scf.for %scan3A_147 = %scan3A_73 to %scan3A_75 step %scan3A_76 iter_args(%scan3A_148 = %broadcast_in_dim3A_72, %scan3A_149 = %broadcast_in_dim3A_72, %scan3A_150 = %broadcast_in_dim3A_72, %scan3A_151 = %broadcast_in_dim3A_72) -> (vector<16xf32>, vector<16xf32>, vector<16xf32>, vector<16xf32>)  : i32 {
        %mul3A_152 = arith.constant 8 : i32
        %mul3A_153 = arith.muli %scan3A_147, %mul3A_152 : i32
        %add3A_154 = arith.constant 0 : i32
        %add3A_155 = arith.addi %mul3A_153, %add3A_154 : i32
        %get3A = arith.constant 0 : i32
        %get3A_156 = arith.index_cast %get3A : i32 to index
        %get3A_157 = arith.index_cast %add3A_155 : i32 to index
        %get3A_158 = arith.constant 0 : index
        %get3A_159 = tpu.vector_load %arg6[%get3A_156, %get3A_157, %get3A_158] {strides = array<i32>} : memref<2x200x128xf32, #tpu.memory_space<vmem>>, vector<1x1x16xf32>,
        %get3A_160 = vector.shape_cast %get3A_159 : vector<1x1x16xf32> to vector<16xf32>
        %add3A_161 = arith.constant 1 : i32
        %add3A_162 = arith.addi %mul3A_153, %add3A_161 : i32
        %get3A_163 = arith.constant 0 : i32
        %get3A_164 = arith.index_cast %get3A_163 : i32 to index
        %get3A_165 = arith.index_cast %add3A_162 : i32 to index
        %get3A_166 = arith.constant 0 : index
        %get3A_167 = tpu.vector_load %arg6[%get3A_164, %get3A_165, %get3A_166] {strides = array<i32>} : memref<2x200x128xf32, #tpu.memory_space<vmem>>, vector<1x1x16xf32>,
        %get3A_168 = vector.shape_cast %get3A_167 : vector<1x1x16xf32> to vector<16xf32>
        %add3A_169 = arith.constant 2 : i32
        %add3A_170 = arith.addi %mul3A_153, %add3A_169 : i32
        %get3A_171 = arith.constant 0 : i32
        %get3A_172 = arith.index_cast %get3A_171 : i32 to index
        %get3A_173 = arith.index_cast %add3A_170 : i32 to index
        %get3A_174 = arith.constant 0 : index
        %get3A_175 = tpu.vector_load %arg6[%get3A_172, %get3A_173, %get3A_174] {strides = array<i32>} : memref<2x200x128xf32, #tpu.memory_space<vmem>>, vector<1x1x16xf32>,
        %get3A_176 = vector.shape_cast %get3A_175 : vector<1x1x16xf32> to vector<16xf32>
        %add3A_177 = arith.constant 3 : i32
        %add3A_178 = arith.addi %mul3A_153, %add3A_177 : i32
        %get3A_179 = arith.constant 0 : i32
        %get3A_180 = arith.index_cast %get3A_179 : i32 to index
        %get3A_181 = arith.index_cast %add3A_178 : i32 to index
        %get3A_182 = arith.constant 0 : index
        %get3A_183 = tpu.vector_load %arg6[%get3A_180, %get3A_181, %get3A_182] {strides = array<i32>} : memref<2x200x128xf32, #tpu.memory_space<vmem>>, vector<1x1x16xf32>,
        %get3A_184 = vector.shape_cast %get3A_183 : vector<1x1x16xf32> to vector<16xf32>
        %add3A_185 = arith.constant 4 : i32
        %add3A_186 = arith.addi %mul3A_153, %add3A_185 : i32
        %get3A_187 = arith.constant 0 : i32
        %get3A_188 = arith.index_cast %get3A_187 : i32 to index
        %get3A_189 = arith.index_cast %add3A_186 : i32 to index
        %get3A_190 = arith.constant 0 : index
        %get3A_191 = tpu.vector_load %arg6[%get3A_188, %get3A_189, %get3A_190] {strides = array<i32>} : memref<2x200x128xf32, #tpu.memory_space<vmem>>, vector<1x1x16xf32>,
        %get3A_192 = vector.shape_cast %get3A_191 : vector<1x1x16xf32> to vector<16xf32>
        %add3A_193 = arith.constant 5 : i32
        %add3A_194 = arith.addi %mul3A_153, %add3A_193 : i32
        %get3A_195 = arith.constant 0 : i32
        %get3A_196 = arith.index_cast %get3A_195 : i32 to index
        %get3A_197 = arith.index_cast %add3A_194 : i32 to index
        %get3A_198 = arith.constant 0 : index
        %get3A_199 = tpu.vector_load %arg6[%get3A_196, %get3A_197, %get3A_198] {strides = array<i32>} : memref<2x200x128xf32, #tpu.memory_space<vmem>>, vector<1x1x16xf32>,
        %get3A_200 = vector.shape_cast %get3A_199 : vector<1x1x16xf32> to vector<16xf32>
        %add3A_201 = arith.constant 6 : i32
        %add3A_202 = arith.addi %mul3A_153, %add3A_201 : i32
        %get3A_203 = arith.constant 0 : i32
        %get3A_204 = arith.index_cast %get3A_203 : i32 to index
        %get3A_205 = arith.index_cast %add3A_202 : i32 to index
        %get3A_206 = arith.constant 0 : index
        %get3A_207 = tpu.vector_load %arg6[%get3A_204, %get3A_205, %get3A_206] {strides = array<i32>} : memref<2x200x128xf32, #tpu.memory_space<vmem>>, vector<1x1x16xf32>,
        %get3A_208 = vector.shape_cast %get3A_207 : vector<1x1x16xf32> to vector<16xf32>
        %add3A_209 = arith.constant 7 : i32
        %add3A_210 = arith.addi %mul3A_153, %add3A_209 : i32
        %get3A_211 = arith.constant 0 : i32
        %get3A_212 = arith.index_cast %get3A_211 : i32 to index
        %get3A_213 = arith.index_cast %add3A_210 : i32 to index
        %get3A_214 = arith.constant 0 : index
        %get3A_215 = tpu.vector_load %arg6[%get3A_212, %get3A_213, %get3A_214] {strides = array<i32>} : memref<2x200x128xf32, #tpu.memory_space<vmem>>, vector<1x1x16xf32>,
        %get3A_216 = vector.shape_cast %get3A_215 : vector<1x1x16xf32> to vector<16xf32>
        %add3A_217 = arith.addf %get3A_160, %get3A_168 : vector<16xf32>
        %add3A_218 = arith.addf %get3A_176, %get3A_184 : vector<16xf32>
        %add3A_219 = arith.addf %add3A_217, %add3A_218 : vector<16xf32>
        %add3A_220 = arith.addf %get3A_192, %get3A_200 : vector<16xf32>
        %add3A_221 = arith.addf %get3A_208, %get3A_216 : vector<16xf32>
        %add3A_222 = arith.addf %add3A_220, %add3A_221 : vector<16xf32>
        %add3A_223 = arith.addf %add3A_219, %add3A_222 : vector<16xf32>
        %add3A_224 = arith.addf %scan3A_148, %add3A_223 : vector<16xf32>
        %add3A_225 = arith.constant 0 : i32
        %add3A_226 = arith.addi %mul3A_153, %add3A_225 : i32
        %get3A_227 = arith.constant 0 : i32
        %get3A_228 = arith.index_cast %get3A_227 : i32 to index
        %get3A_229 = arith.index_cast %add3A_226 : i32 to index
        %get3A_230 = arith.constant 16 : index
        %get3A_231 = tpu.vector_load %arg6[%get3A_228, %get3A_229, %get3A_230] {strides = array<i32>} : memref<2x200x128xf32, #tpu.memory_space<vmem>>, vector<1x1x16xf32>,
        %get3A_232 = vector.shape_cast %get3A_231 : vector<1x1x16xf32> to vector<16xf32>
        %add3A_233 = arith.constant 1 : i32
        %add3A_234 = arith.addi %mul3A_153, %add3A_233 : i32
        %get3A_235 = arith.constant 0 : i32
        %get3A_236 = arith.index_cast %get3A_235 : i32 to index
        %get3A_237 = arith.index_cast %add3A_234 : i32 to index
        %get3A_238 = arith.constant 16 : index
        %get3A_239 = tpu.vector_load %arg6[%get3A_236, %get3A_237, %get3A_238] {strides = array<i32>} : memref<2x200x128xf32, #tpu.memory_space<vmem>>, vector<1x1x16xf32>,
        %get3A_240 = vector.shape_cast %get3A_239 : vector<1x1x16xf32> to vector<16xf32>
        %add3A_241 = arith.constant 2 : i32
        %add3A_242 = arith.addi %mul3A_153, %add3A_241 : i32
        %get3A_243 = arith.constant 0 : i32
        %get3A_244 = arith.index_cast %get3A_243 : i32 to index
        %get3A_245 = arith.index_cast %add3A_242 : i32 to index
        %get3A_246 = arith.constant 16 : index
        %get3A_247 = tpu.vector_load %arg6[%get3A_244, %get3A_245, %get3A_246] {strides = array<i32>} : memref<2x200x128xf32, #tpu.memory_space<vmem>>, vector<1x1x16xf32>,
        %get3A_248 = vector.shape_cast %get3A_247 : vector<1x1x16xf32> to vector<16xf32>
        %add3A_249 = arith.constant 3 : i32
        %add3A_250 = arith.addi %mul3A_153, %add3A_249 : i32
        %get3A_251 = arith.constant 0 : i32
        %get3A_252 = arith.index_cast %get3A_251 : i32 to index
        %get3A_253 = arith.index_cast %add3A_250 : i32 to index
        %get3A_254 = arith.constant 16 : index
        %get3A_255 = tpu.vector_load %arg6[%get3A_252, %get3A_253, %get3A_254] {strides = array<i32>} : memref<2x200x128xf32, #tpu.memory_space<vmem>>, vector<1x1x16xf32>,
        %get3A_256 = vector.shape_cast %get3A_255 : vector<1x1x16xf32> to vector<16xf32>
        %add3A_257 = arith.constant 4 : i32
        %add3A_258 = arith.addi %mul3A_153, %add3A_257 : i32
        %get3A_259 = arith.constant 0 : i32
        %get3A_260 = arith.index_cast %get3A_259 : i32 to index
        %get3A_261 = arith.index_cast %add3A_258 : i32 to index
        %get3A_262 = arith.constant 16 : index
        %get3A_263 = tpu.vector_load %arg6[%get3A_260, %get3A_261, %get3A_262] {strides = array<i32>} : memref<2x200x128xf32, #tpu.memory_space<vmem>>, vector<1x1x16xf32>,
        %get3A_264 = vector.shape_cast %get3A_263 : vector<1x1x16xf32> to vector<16xf32>
        %add3A_265 = arith.constant 5 : i32
        %add3A_266 = arith.addi %mul3A_153, %add3A_265 : i32
        %get3A_267 = arith.constant 0 : i32
        %get3A_268 = arith.index_cast %get3A_267 : i32 to index
        %get3A_269 = arith.index_cast %add3A_266 : i32 to index
        %get3A_270 = arith.constant 16 : index
        %get3A_271 = tpu.vector_load %arg6[%get3A_268, %get3A_269, %get3A_270] {strides = array<i32>} : memref<2x200x128xf32, #tpu.memory_space<vmem>>, vector<1x1x16xf32>,
        %get3A_272 = vector.shape_cast %get3A_271 : vector<1x1x16xf32> to vector<16xf32>
        %add3A_273 = arith.constant 6 : i32
        %add3A_274 = arith.addi %mul3A_153, %add3A_273 : i32
        %get3A_275 = arith.constant 0 : i32
        %get3A_276 = arith.index_cast %get3A_275 : i32 to index
        %get3A_277 = arith.index_cast %add3A_274 : i32 to index
        %get3A_278 = arith.constant 16 : index
        %get3A_279 = tpu.vector_load %arg6[%get3A_276, %get3A_277, %get3A_278] {strides = array<i32>} : memref<2x200x128xf32, #tpu.memory_space<vmem>>, vector<1x1x16xf32>,
        %get3A_280 = vector.shape_cast %get3A_279 : vector<1x1x16xf32> to vector<16xf32>
        %add3A_281 = arith.constant 7 : i32
        %add3A_282 = arith.addi %mul3A_153, %add3A_281 : i32
        %get3A_283 = arith.constant 0 : i32
        %get3A_284 = arith.index_cast %get3A_283 : i32 to index
        %get3A_285 = arith.index_cast %add3A_282 : i32 to index
        %get3A_286 = arith.constant 16 : index
        %get3A_287 = tpu.vector_load %arg6[%get3A_284, %get3A_285, %get3A_286] {strides = array<i32>} : memref<2x200x128xf32, #tpu.memory_space<vmem>>, vector<1x1x16xf32>,
        %get3A_288 = vector.shape_cast %get3A_287 : vector<1x1x16xf32> to vector<16xf32>
        %add3A_289 = arith.addf %get3A_232, %get3A_240 : vector<16xf32>
        %add3A_290 = arith.addf %get3A_248, %get3A_256 : vector<16xf32>
        %add3A_291 = arith.addf %add3A_289, %add3A_290 : vector<16xf32>
        %add3A_292 = arith.addf %get3A_264, %get3A_272 : vector<16xf32>
        %add3A_293 = arith.addf %get3A_280, %get3A_288 : vector<16xf32>
        %add3A_294 = arith.addf %add3A_292, %add3A_293 : vector<16xf32>
        %add3A_295 = arith.addf %add3A_291, %add3A_294 : vector<16xf32>
        %add3A_296 = arith.addf %scan3A_149, %add3A_295 : vector<16xf32>
        %add3A_297 = arith.constant 0 : i32
        %add3A_298 = arith.addi %mul3A_153, %add3A_297 : i32
        %get3A_299 = arith.constant 0 : i32
        %get3A_300 = arith.index_cast %get3A_299 : i32 to index
        %get3A_301 = arith.index_cast %add3A_298 : i32 to index
        %get3A_302 = arith.constant 32 : index
        %get3A_303 = tpu.vector_load %arg6[%get3A_300, %get3A_301, %get3A_302] {strides = array<i32>} : memref<2x200x128xf32, #tpu.memory_space<vmem>>, vector<1x1x16xf32>,
        %get3A_304 = vector.shape_cast %get3A_303 : vector<1x1x16xf32> to vector<16xf32>
        %add3A_305 = arith.constant 1 : i32
        %add3A_306 = arith.addi %mul3A_153, %add3A_305 : i32
        %get3A_307 = arith.constant 0 : i32
        %get3A_308 = arith.index_cast %get3A_307 : i32 to index
        %get3A_309 = arith.index_cast %add3A_306 : i32 to index
        %get3A_310 = arith.constant 32 : index
        %get3A_311 = tpu.vector_load %arg6[%get3A_308, %get3A_309, %get3A_310] {strides = array<i32>} : memref<2x200x128xf32, #tpu.memory_space<vmem>>, vector<1x1x16xf32>,
        %get3A_312 = vector.shape_cast %get3A_311 : vector<1x1x16xf32> to vector<16xf32>
        %add3A_313 = arith.constant 2 : i32
        %add3A_314 = arith.addi %mul3A_153, %add3A_313 : i32
        %get3A_315 = arith.constant 0 : i32
        %get3A_316 = arith.index_cast %get3A_315 : i32 to index
        %get3A_317 = arith.index_cast %add3A_314 : i32 to index
        %get3A_318 = arith.constant 32 : index
        %get3A_319 = tpu.vector_load %arg6[%get3A_316, %get3A_317, %get3A_318] {strides = array<i32>} : memref<2x200x128xf32, #tpu.memory_space<vmem>>, vector<1x1x16xf32>,
        %get3A_320 = vector.shape_cast %get3A_319 : vector<1x1x16xf32> to vector<16xf32>
        %add3A_321 = arith.constant 3 : i32
        %add3A_322 = arith.addi %mul3A_153, %add3A_321 : i32
        %get3A_323 = arith.constant 0 : i32
        %get3A_324 = arith.index_cast %get3A_323 : i32 to index
        %get3A_325 = arith.index_cast %add3A_322 : i32 to index
        %get3A_326 = arith.constant 32 : index
        %get3A_327 = tpu.vector_load %arg6[%get3A_324, %get3A_325, %get3A_326] {strides = array<i32>} : memref<2x200x128xf32, #tpu.memory_space<vmem>>, vector<1x1x16xf32>,
        %get3A_328 = vector.shape_cast %get3A_327 : vector<1x1x16xf32> to vector<16xf32>
        %add3A_329 = arith.constant 4 : i32
        %add3A_330 = arith.addi %mul3A_153, %add3A_329 : i32
        %get3A_331 = arith.constant 0 : i32
        %get3A_332 = arith.index_cast %get3A_331 : i32 to index
        %get3A_333 = arith.index_cast %add3A_330 : i32 to index
        %get3A_334 = arith.constant 32 : index
        %get3A_335 = tpu.vector_load %arg6[%get3A_332, %get3A_333, %get3A_334] {strides = array<i32>} : memref<2x200x128xf32, #tpu.memory_space<vmem>>, vector<1x1x16xf32>,
        %get3A_336 = vector.shape_cast %get3A_335 : vector<1x1x16xf32> to vector<16xf32>
        %add3A_337 = arith.constant 5 : i32
        %add3A_338 = arith.addi %mul3A_153, %add3A_337 : i32
        %get3A_339 = arith.constant 0 : i32
        %get3A_340 = arith.index_cast %get3A_339 : i32 to index
        %get3A_341 = arith.index_cast %add3A_338 : i32 to index
        %get3A_342 = arith.constant 32 : index
        %get3A_343 = tpu.vector_load %arg6[%get3A_340, %get3A_341, %get3A_342] {strides = array<i32>} : memref<2x200x128xf32, #tpu.memory_space<vmem>>, vector<1x1x16xf32>,
        %get3A_344 = vector.shape_cast %get3A_343 : vector<1x1x16xf32> to vector<16xf32>
        %add3A_345 = arith.constant 6 : i32
        %add3A_346 = arith.addi %mul3A_153, %add3A_345 : i32
        %get3A_347 = arith.constant 0 : i32
        %get3A_348 = arith.index_cast %get3A_347 : i32 to index
        %get3A_349 = arith.index_cast %add3A_346 : i32 to index
        %get3A_350 = arith.constant 32 : index
        %get3A_351 = tpu.vector_load %arg6[%get3A_348, %get3A_349, %get3A_350] {strides = array<i32>} : memref<2x200x128xf32, #tpu.memory_space<vmem>>, vector<1x1x16xf32>,
        %get3A_352 = vector.shape_cast %get3A_351 : vector<1x1x16xf32> to vector<16xf32>
        %add3A_353 = arith.constant 7 : i32
        %add3A_354 = arith.addi %mul3A_153, %add3A_353 : i32
        %get3A_355 = arith.constant 0 : i32
        %get3A_356 = arith.index_cast %get3A_355 : i32 to index
        %get3A_357 = arith.index_cast %add3A_354 : i32 to index
        %get3A_358 = arith.constant 32 : index
        %get3A_359 = tpu.vector_load %arg6[%get3A_356, %get3A_357, %get3A_358] {strides = array<i32>} : memref<2x200x128xf32, #tpu.memory_space<vmem>>, vector<1x1x16xf32>,
        %get3A_360 = vector.shape_cast %get3A_359 : vector<1x1x16xf32> to vector<16xf32>
        %add3A_361 = arith.addf %get3A_304, %get3A_312 : vector<16xf32>
        %add3A_362 = arith.addf %get3A_320, %get3A_328 : vector<16xf32>
        %add3A_363 = arith.addf %add3A_361, %add3A_362 : vector<16xf32>
        %add3A_364 = arith.addf %get3A_336, %get3A_344 : vector<16xf32>
        %add3A_365 = arith.addf %get3A_352, %get3A_360 : vector<16xf32>
        %add3A_366 = arith.addf %add3A_364, %add3A_365 : vector<16xf32>
        %add3A_367 = arith.addf %add3A_363, %add3A_366 : vector<16xf32>
        %add3A_368 = arith.addf %scan3A_150, %add3A_367 : vector<16xf32>
        %add3A_369 = arith.constant 0 : i32
        %add3A_370 = arith.addi %mul3A_153, %add3A_369 : i32
        %get3A_371 = arith.constant 0 : i32
        %get3A_372 = arith.index_cast %get3A_371 : i32 to index
        %get3A_373 = arith.index_cast %add3A_370 : i32 to index
        %get3A_374 = arith.constant 48 : index
        %get3A_375 = tpu.vector_load %arg6[%get3A_372, %get3A_373, %get3A_374] {strides = array<i32>} : memref<2x200x128xf32, #tpu.memory_space<vmem>>, vector<1x1x16xf32>,
        %get3A_376 = vector.shape_cast %get3A_375 : vector<1x1x16xf32> to vector<16xf32>
        %add3A_377 = arith.constant 1 : i32
        %add3A_378 = arith.addi %mul3A_153, %add3A_377 : i32
        %get3A_379 = arith.constant 0 : i32
        %get3A_380 = arith.index_cast %get3A_379 : i32 to index
        %get3A_381 = arith.index_cast %add3A_378 : i32 to index
        %get3A_382 = arith.constant 48 : index
        %get3A_383 = tpu.vector_load %arg6[%get3A_380, %get3A_381, %get3A_382] {strides = array<i32>} : memref<2x200x128xf32, #tpu.memory_space<vmem>>, vector<1x1x16xf32>,
        %get3A_384 = vector.shape_cast %get3A_383 : vector<1x1x16xf32> to vector<16xf32>
        %add3A_385 = arith.constant 2 : i32
        %add3A_386 = arith.addi %mul3A_153, %add3A_385 : i32
        %get3A_387 = arith.constant 0 : i32
        %get3A_388 = arith.index_cast %get3A_387 : i32 to index
        %get3A_389 = arith.index_cast %add3A_386 : i32 to index
        %get3A_390 = arith.constant 48 : index
        %get3A_391 = tpu.vector_load %arg6[%get3A_388, %get3A_389, %get3A_390] {strides = array<i32>} : memref<2x200x128xf32, #tpu.memory_space<vmem>>, vector<1x1x16xf32>,
        %get3A_392 = vector.shape_cast %get3A_391 : vector<1x1x16xf32> to vector<16xf32>
        %add3A_393 = arith.constant 3 : i32
        %add3A_394 = arith.addi %mul3A_153, %add3A_393 : i32
        %get3A_395 = arith.constant 0 : i32
        %get3A_396 = arith.index_cast %get3A_395 : i32 to index
        %get3A_397 = arith.index_cast %add3A_394 : i32 to index
        %get3A_398 = arith.constant 48 : index
        %get3A_399 = tpu.vector_load %arg6[%get3A_396, %get3A_397, %get3A_398] {strides = array<i32>} : memref<2x200x128xf32, #tpu.memory_space<vmem>>, vector<1x1x16xf32>,
        %get3A_400 = vector.shape_cast %get3A_399 : vector<1x1x16xf32> to vector<16xf32>
        %add3A_401 = arith.constant 4 : i32
        %add3A_402 = arith.addi %mul3A_153, %add3A_401 : i32
        %get3A_403 = arith.constant 0 : i32
        %get3A_404 = arith.index_cast %get3A_403 : i32 to index
        %get3A_405 = arith.index_cast %add3A_402 : i32 to index
        %get3A_406 = arith.constant 48 : index
        %get3A_407 = tpu.vector_load %arg6[%get3A_404, %get3A_405, %get3A_406] {strides = array<i32>} : memref<2x200x128xf32, #tpu.memory_space<vmem>>, vector<1x1x16xf32>,
        %get3A_408 = vector.shape_cast %get3A_407 : vector<1x1x16xf32> to vector<16xf32>
        %add3A_409 = arith.constant 5 : i32
        %add3A_410 = arith.addi %mul3A_153, %add3A_409 : i32
        %get3A_411 = arith.constant 0 : i32
        %get3A_412 = arith.index_cast %get3A_411 : i32 to index
        %get3A_413 = arith.index_cast %add3A_410 : i32 to index
        %get3A_414 = arith.constant 48 : index
        %get3A_415 = tpu.vector_load %arg6[%get3A_412, %get3A_413, %get3A_414] {strides = array<i32>} : memref<2x200x128xf32, #tpu.memory_space<vmem>>, vector<1x1x16xf32>,
        %get3A_416 = vector.shape_cast %get3A_415 : vector<1x1x16xf32> to vector<16xf32>
        %add3A_417 = arith.constant 6 : i32
        %add3A_418 = arith.addi %mul3A_153, %add3A_417 : i32
        %get3A_419 = arith.constant 0 : i32
        %get3A_420 = arith.index_cast %get3A_419 : i32 to index
        %get3A_421 = arith.index_cast %add3A_418 : i32 to index
        %get3A_422 = arith.constant 48 : index
        %get3A_423 = tpu.vector_load %arg6[%get3A_420, %get3A_421, %get3A_422] {strides = array<i32>} : memref<2x200x128xf32, #tpu.memory_space<vmem>>, vector<1x1x16xf32>,
        %get3A_424 = vector.shape_cast %get3A_423 : vector<1x1x16xf32> to vector<16xf32>
        %add3A_425 = arith.constant 7 : i32
        %add3A_426 = arith.addi %mul3A_153, %add3A_425 : i32
        %get3A_427 = arith.constant 0 : i32
        %get3A_428 = arith.index_cast %get3A_427 : i32 to index
        %get3A_429 = arith.index_cast %add3A_426 : i32 to index
        %get3A_430 = arith.constant 48 : index
        %get3A_431 = tpu.vector_load %arg6[%get3A_428, %get3A_429, %get3A_430] {strides = array<i32>} : memref<2x200x128xf32, #tpu.memory_space<vmem>>, vector<1x1x16xf32>,
        %get3A_432 = vector.shape_cast %get3A_431 : vector<1x1x16xf32> to vector<16xf32>
        %add3A_433 = arith.addf %get3A_376, %get3A_384 : vector<16xf32>
        %add3A_434 = arith.addf %get3A_392, %get3A_400 : vector<16xf32>
        %add3A_435 = arith.addf %add3A_433, %add3A_434 : vector<16xf32>
        %add3A_436 = arith.addf %get3A_408, %get3A_416 : vector<16xf32>
        %add3A_437 = arith.addf %get3A_424, %get3A_432 : vector<16xf32>
        %add3A_438 = arith.addf %add3A_436, %add3A_437 : vector<16xf32>
        %add3A_439 = arith.addf %add3A_435, %add3A_438 : vector<16xf32>
        %add3A_440 = arith.addf %scan3A_151, %add3A_439 : vector<16xf32>
        scf.yield %add3A_224, %add3A_296, %add3A_368, %add3A_440 : vector<16xf32>, vector<16xf32>, vector<16xf32>, vector<16xf32>
      }
      %scan3A_78 = arith.constant 25 : i32
      %swap3A = arith.index_cast %mul3A_33 : i32 to index
      %swap3A_79 = arith.constant 0 : index
      %swap3A_80 = tpu.vector_load %arg7[%swap3A, %swap3A_79] {strides = array<i32>} : memref<128x64xf32, #tpu.memory_space<vmem>>, vector<1x16xf32>,
      %swap3A_81 = vector.shape_cast %swap3A_80 : vector<1x16xf32> to vector<16xf32>
      %swap3A_82 = vector.shape_cast %scan3A_77#0 : vector<16xf32> to vector<1x16xf32>
      tpu.vector_store %arg7[%swap3A, %swap3A_79], %swap3A_82 {strides = array<i32>} : memref<128x64xf32, #tpu.memory_space<vmem>>, vector<1x16xf32>,
      %swap3A_83 = arith.index_cast %mul3A_33 : i32 to index
      %swap3A_84 = arith.constant 16 : index
      %swap3A_85 = tpu.vector_load %arg7[%swap3A_83, %swap3A_84] {strides = array<i32>} : memref<128x64xf32, #tpu.memory_space<vmem>>, vector<1x16xf32>,
      %swap3A_86 = vector.shape_cast %swap3A_85 : vector<1x16xf32> to vector<16xf32>
      %swap3A_87 = vector.shape_cast %scan3A_77#1 : vector<16xf32> to vector<1x16xf32>
      tpu.vector_store %arg7[%swap3A_83, %swap3A_84], %swap3A_87 {strides = array<i32>} : memref<128x64xf32, #tpu.memory_space<vmem>>, vector<1x16xf32>,
      %swap3A_88 = arith.index_cast %mul3A_33 : i32 to index
      %swap3A_89 = arith.constant 32 : index
      %swap3A_90 = tpu.vector_load %arg7[%swap3A_88, %swap3A_89] {strides = array<i32>} : memref<128x64xf32, #tpu.memory_space<vmem>>, vector<1x16xf32>,
      %swap3A_91 = vector.shape_cast %swap3A_90 : vector<1x16xf32> to vector<16xf32>
      %swap3A_92 = vector.shape_cast %scan3A_77#2 : vector<16xf32> to vector<1x16xf32>
      tpu.vector_store %arg7[%swap3A_88, %swap3A_89], %swap3A_92 {strides = array<i32>} : memref<128x64xf32, #tpu.memory_space<vmem>>, vector<1x16xf32>,
      %swap3A_93 = arith.index_cast %mul3A_33 : i32 to index
      %swap3A_94 = arith.constant 48 : index
      %swap3A_95 = tpu.vector_load %arg7[%swap3A_93, %swap3A_94] {strides = array<i32>} : memref<128x64xf32, #tpu.memory_space<vmem>>, vector<1x16xf32>,
      %swap3A_96 = vector.shape_cast %swap3A_95 : vector<1x16xf32> to vector<16xf32>
      %swap3A_97 = vector.shape_cast %scan3A_77#3 : vector<16xf32> to vector<1x16xf32>
      tpu.vector_store %arg7[%swap3A_93, %swap3A_94], %swap3A_97 {strides = array<i32>} : memref<128x64xf32, #tpu.memory_space<vmem>>, vector<1x16xf32>,
      %add3A_98 = arith.constant 1 : i32
      %add3A_99 = arith.addi %scan3A_31, %add3A_98 : i32
      %lt3A = arith.constant 64 : i32
      %lt3A_100 = arith.cmpi slt, %add3A_99, %lt3A : i32
      %convert_element_type3A = arith.extui %lt3A_100 : i1 to i32
      %cond3A = arith.constant 0 : i32
      %cond3A_101 = arith.cmpi ne, %convert_element_type3A, %cond3A : i32
      scf.if %cond3A_101 {
        %add3A_147 = arith.constant 2 : i32
        %add3A_148 = arith.addi %mul3A_33, %add3A_147 : i32
        %dma_start3A_149 = arith.constant 0 : i32
        %dma_start3A_150 = arith.constant 0 : i32
        %dma_start3A_151 = arith.constant 0 : i32
        %dma_start3A_152 = tpu.memref_slice %arg6[%dma_start3A_149, %dma_start3A_150, %dma_start3A_151] : memref<2x200x128xf32, #tpu.memory_space<vmem>> -> memref<1x128x128xf32, #tpu.memory_space<vmem>>
        %dma_start3A_153 = tpu.memref_squeeze %dma_start3A_152 : memref<1x128x128xf32, #tpu.memory_space<vmem>> -> memref<128x128xf32, #tpu.memory_space<vmem>>
        %dma_start3A_154 = arith.constant 0 : i32
        %dma_start3A_155 = tpu.memref_slice %arg5[%add3A_148, %dma_start3A_154] : memref<128x256xi32, #tpu.memory_space<vmem>> -> memref<1x128xi32, #tpu.memory_space<vmem>>
        %dma_start3A_156 = tpu.memref_squeeze %dma_start3A_155 : memref<1x128xi32, #tpu.memory_space<vmem>> -> memref<128xi32, #tpu.memory_space<vmem>>
        %dma_start3A_157 = arith.constant 0 : i32
        %dma_start3A_158 = arith.constant 0 : i32
        %dma_start3A_159 = tpu.memref_slice %arg3[%dma_start3A_157, %dma_start3A_158] : memref<1000000x128xf32, #tpu.memory_space<hbm>> -> memref<1000000x128xf32, #tpu.memory_space<hbm>>
        tpu.enqueue_indirect_dma source(%dma_start3A_159 : memref<1000000x128xf32, #tpu.memory_space<hbm>>) target(%dma_start3A_153 : memref<128x128xf32, #tpu.memory_space<vmem>>) offsets(%dma_start3A_156 : memref<128xi32, #tpu.memory_space<vmem>>) semaphore(%arg8 : memref<!tpu.dma_semaphore, #tpu.memory_space<semaphore_mem>>)
        %dma_start3A_160 = arith.constant 0 : i32
        %dma_start3A_161 = arith.constant 128 : i32
        %dma_start3A_162 = arith.constant 0 : i32
        %dma_start3A_163 = tpu.memref_slice %arg6[%dma_start3A_160, %dma_start3A_161, %dma_start3A_162] : memref<2x200x128xf32, #tpu.memory_space<vmem>> -> memref<1x72x128xf32, #tpu.memory_space<vmem>>
        %dma_start3A_164 = tpu.memref_squeeze %dma_start3A_163 : memref<1x72x128xf32, #tpu.memory_space<vmem>> -> memref<72x128xf32, #tpu.memory_space<vmem>>
        %dma_start3A_165 = arith.constant 128 : i32
        %dma_start3A_166 = tpu.memref_slice %arg5[%add3A_148, %dma_start3A_165] : memref<128x256xi32, #tpu.memory_space<vmem>> -> memref<1x72xi32, #tpu.memory_space<vmem>>
        %dma_start3A_167 = tpu.memref_squeeze %dma_start3A_166 : memref<1x72xi32, #tpu.memory_space<vmem>> -> memref<72xi32, #tpu.memory_space<vmem>>
        %dma_start3A_168 = arith.constant 0 : i32
        %dma_start3A_169 = arith.constant 0 : i32
        %dma_start3A_170 = tpu.memref_slice %arg3[%dma_start3A_168, %dma_start3A_169] : memref<1000000x128xf32, #tpu.memory_space<hbm>> -> memref<1000000x128xf32, #tpu.memory_space<hbm>>
        tpu.enqueue_indirect_dma source(%dma_start3A_170 : memref<1000000x128xf32, #tpu.memory_space<hbm>>) target(%dma_start3A_164 : memref<72x128xf32, #tpu.memory_space<vmem>>) offsets(%dma_start3A_167 : memref<72xi32, #tpu.memory_space<vmem>>) semaphore(%arg8 : memref<!tpu.dma_semaphore, #tpu.memory_space<semaphore_mem>>)
      } else {
      }
      %dma_wait3A_102 = arith.constant 1 : i32
      %dma_wait3A_103 = arith.constant 0 : i32
      %dma_wait3A_104 = arith.constant 0 : i32
      %dma_wait3A_105 = tpu.memref_slice %arg6[%dma_wait3A_102, %dma_wait3A_103, %dma_wait3A_104] : memref<2x200x128xf32, #tpu.memory_space<vmem>> -> memref<1x200x128xf32, #tpu.memory_space<vmem>>
      %dma_wait3A_106 = tpu.memref_squeeze %dma_wait3A_105 : memref<1x200x128xf32, #tpu.memory_space<vmem>> -> memref<200x128xf32, #tpu.memory_space<vmem>>
      %dma_wait3A_107 = arith.constant 0 : i32
      %dma_wait3A_108 = arith.constant 0 : i32
      %dma_wait3A_109 = tpu.memref_slice %arg3[%dma_wait3A_107, %dma_wait3A_108] : memref<1000000x128xf32, #tpu.memory_space<hbm>> -> memref<200x128xf32, #tpu.memory_space<hbm>>
      %dma_wait3A_110 = arith.constant 0 : i32
      %dma_wait3A_111 = arith.constant 0 : i32
      %dma_wait3A_112 = tpu.memref_slice %arg6[%dma_wait3A_102, %dma_wait3A_110, %dma_wait3A_111] : memref<2x200x128xf32, #tpu.memory_space<vmem>> -> memref<1x200x128xf32, #tpu.memory_space<vmem>>
      %dma_wait3A_113 = tpu.memref_squeeze %dma_wait3A_112 : memref<1x200x128xf32, #tpu.memory_space<vmem>> -> memref<200x128xf32, #tpu.memory_space<vmem>>
      %dma_wait3A_114 = arith.constant 0 : i32
      %dma_wait3A_115 = arith.constant 0 : i32
      %dma_wait3A_116 = tpu.memref_slice %arg3[%dma_wait3A_114, %dma_wait3A_115] : memref<1000000x128xf32, #tpu.memory_space<hbm>> -> memref<200x128xf32, #tpu.memory_space<hbm>>
      tpu.wait_dma2 semaphore(%arg9 : memref<!tpu.dma_semaphore, #tpu.memory_space<semaphore_mem>>) src(%dma_wait3A_116 : memref<200x128xf32, #tpu.memory_space<hbm>>) dst(%dma_wait3A_113 : memref<200x128xf32, #tpu.memory_space<vmem>>)
      %add3A_117 = arith.constant 1 : i32
      %add3A_118 = arith.addi %mul3A_33, %add3A_117 : i32
      %broadcast_in_dim3A_119 = arith.constant 0.000000e+00 : f32
      %broadcast_in_dim3A_120 = vector.broadcast %broadcast_in_dim3A_119 : f32 to vector<16xf32>
      %scan3A_121 = arith.constant 0 : i32
      %scan3A_122 = arith.constant 25 : i32
      %scan3A_123 = arith.addi %scan3A_121, %scan3A_122 : i32
      %scan3A_124 = arith.constant 1 : i32
      %scan3A_125:4 = scf.for %scan3A_147 = %scan3A_121 to %scan3A_123 step %scan3A_124 iter_args(%scan3A_148 = %broadcast_in_dim3A_120, %scan3A_149 = %broadcast_in_dim3A_120, %scan3A_150 = %broadcast_in_dim3A_120, %scan3A_151 = %broadcast_in_dim3A_120) -> (vector<16xf32>, vector<16xf32>, vector<16xf32>, vector<16xf32>)  : i32 {
        %mul3A_152 = arith.constant 8 : i32
        %mul3A_153 = arith.muli %scan3A_147, %mul3A_152 : i32
        %add3A_154 = arith.constant 0 : i32
        %add3A_155 = arith.addi %mul3A_153, %add3A_154 : i32
        %get3A = arith.constant 1 : i32
        %get3A_156 = arith.index_cast %get3A : i32 to index
        %get3A_157 = arith.index_cast %add3A_155 : i32 to index
        %get3A_158 = arith.constant 0 : index
        %get3A_159 = tpu.vector_load %arg6[%get3A_156, %get3A_157, %get3A_158] {strides = array<i32>} : memref<2x200x128xf32, #tpu.memory_space<vmem>>, vector<1x1x16xf32>,
        %get3A_160 = vector.shape_cast %get3A_159 : vector<1x1x16xf32> to vector<16xf32>
        %add3A_161 = arith.constant 1 : i32
        %add3A_162 = arith.addi %mul3A_153, %add3A_161 : i32
        %get3A_163 = arith.constant 1 : i32
        %get3A_164 = arith.index_cast %get3A_163 : i32 to index
        %get3A_165 = arith.index_cast %add3A_162 : i32 to index
        %get3A_166 = arith.constant 0 : index
        %get3A_167 = tpu.vector_load %arg6[%get3A_164, %get3A_165, %get3A_166] {strides = array<i32>} : memref<2x200x128xf32, #tpu.memory_space<vmem>>, vector<1x1x16xf32>,
        %get3A_168 = vector.shape_cast %get3A_167 : vector<1x1x16xf32> to vector<16xf32>
        %add3A_169 = arith.constant 2 : i32
        %add3A_170 = arith.addi %mul3A_153, %add3A_169 : i32
        %get3A_171 = arith.constant 1 : i32
        %get3A_172 = arith.index_cast %get3A_171 : i32 to index
        %get3A_173 = arith.index_cast %add3A_170 : i32 to index
        %get3A_174 = arith.constant 0 : index
        %get3A_175 = tpu.vector_load %arg6[%get3A_172, %get3A_173, %get3A_174] {strides = array<i32>} : memref<2x200x128xf32, #tpu.memory_space<vmem>>, vector<1x1x16xf32>,
        %get3A_176 = vector.shape_cast %get3A_175 : vector<1x1x16xf32> to vector<16xf32>
        %add3A_177 = arith.constant 3 : i32
        %add3A_178 = arith.addi %mul3A_153, %add3A_177 : i32
        %get3A_179 = arith.constant 1 : i32
        %get3A_180 = arith.index_cast %get3A_179 : i32 to index
        %get3A_181 = arith.index_cast %add3A_178 : i32 to index
        %get3A_182 = arith.constant 0 : index
        %get3A_183 = tpu.vector_load %arg6[%get3A_180, %get3A_181, %get3A_182] {strides = array<i32>} : memref<2x200x128xf32, #tpu.memory_space<vmem>>, vector<1x1x16xf32>,
        %get3A_184 = vector.shape_cast %get3A_183 : vector<1x1x16xf32> to vector<16xf32>
        %add3A_185 = arith.constant 4 : i32
        %add3A_186 = arith.addi %mul3A_153, %add3A_185 : i32
        %get3A_187 = arith.constant 1 : i32
        %get3A_188 = arith.index_cast %get3A_187 : i32 to index
        %get3A_189 = arith.index_cast %add3A_186 : i32 to index
        %get3A_190 = arith.constant 0 : index
        %get3A_191 = tpu.vector_load %arg6[%get3A_188, %get3A_189, %get3A_190] {strides = array<i32>} : memref<2x200x128xf32, #tpu.memory_space<vmem>>, vector<1x1x16xf32>,
        %get3A_192 = vector.shape_cast %get3A_191 : vector<1x1x16xf32> to vector<16xf32>
        %add3A_193 = arith.constant 5 : i32
        %add3A_194 = arith.addi %mul3A_153, %add3A_193 : i32
        %get3A_195 = arith.constant 1 : i32
        %get3A_196 = arith.index_cast %get3A_195 : i32 to index
        %get3A_197 = arith.index_cast %add3A_194 : i32 to index
        %get3A_198 = arith.constant 0 : index
        %get3A_199 = tpu.vector_load %arg6[%get3A_196, %get3A_197, %get3A_198] {strides = array<i32>} : memref<2x200x128xf32, #tpu.memory_space<vmem>>, vector<1x1x16xf32>,
        %get3A_200 = vector.shape_cast %get3A_199 : vector<1x1x16xf32> to vector<16xf32>
        %add3A_201 = arith.constant 6 : i32
        %add3A_202 = arith.addi %mul3A_153, %add3A_201 : i32
        %get3A_203 = arith.constant 1 : i32
        %get3A_204 = arith.index_cast %get3A_203 : i32 to index
        %get3A_205 = arith.index_cast %add3A_202 : i32 to index
        %get3A_206 = arith.constant 0 : index
        %get3A_207 = tpu.vector_load %arg6[%get3A_204, %get3A_205, %get3A_206] {strides = array<i32>} : memref<2x200x128xf32, #tpu.memory_space<vmem>>, vector<1x1x16xf32>,
        %get3A_208 = vector.shape_cast %get3A_207 : vector<1x1x16xf32> to vector<16xf32>
        %add3A_209 = arith.constant 7 : i32
        %add3A_210 = arith.addi %mul3A_153, %add3A_209 : i32
        %get3A_211 = arith.constant 1 : i32
        %get3A_212 = arith.index_cast %get3A_211 : i32 to index
        %get3A_213 = arith.index_cast %add3A_210 : i32 to index
        %get3A_214 = arith.constant 0 : index
        %get3A_215 = tpu.vector_load %arg6[%get3A_212, %get3A_213, %get3A_214] {strides = array<i32>} : memref<2x200x128xf32, #tpu.memory_space<vmem>>, vector<1x1x16xf32>,
        %get3A_216 = vector.shape_cast %get3A_215 : vector<1x1x16xf32> to vector<16xf32>
        %add3A_217 = arith.addf %get3A_160, %get3A_168 : vector<16xf32>
        %add3A_218 = arith.addf %get3A_176, %get3A_184 : vector<16xf32>
        %add3A_219 = arith.addf %add3A_217, %add3A_218 : vector<16xf32>
        %add3A_220 = arith.addf %get3A_192, %get3A_200 : vector<16xf32>
        %add3A_221 = arith.addf %get3A_208, %get3A_216 : vector<16xf32>
        %add3A_222 = arith.addf %add3A_220, %add3A_221 : vector<16xf32>
        %add3A_223 = arith.addf %add3A_219, %add3A_222 : vector<16xf32>
        %add3A_224 = arith.addf %scan3A_148, %add3A_223 : vector<16xf32>
        %add3A_225 = arith.constant 0 : i32
        %add3A_226 = arith.addi %mul3A_153, %add3A_225 : i32
        %get3A_227 = arith.constant 1 : i32
        %get3A_228 = arith.index_cast %get3A_227 : i32 to index
        %get3A_229 = arith.index_cast %add3A_226 : i32 to index
        %get3A_230 = arith.constant 16 : index
        %get3A_231 = tpu.vector_load %arg6[%get3A_228, %get3A_229, %get3A_230] {strides = array<i32>} : memref<2x200x128xf32, #tpu.memory_space<vmem>>, vector<1x1x16xf32>,
        %get3A_232 = vector.shape_cast %get3A_231 : vector<1x1x16xf32> to vector<16xf32>
        %add3A_233 = arith.constant 1 : i32
        %add3A_234 = arith.addi %mul3A_153, %add3A_233 : i32
        %get3A_235 = arith.constant 1 : i32
        %get3A_236 = arith.index_cast %get3A_235 : i32 to index
        %get3A_237 = arith.index_cast %add3A_234 : i32 to index
        %get3A_238 = arith.constant 16 : index
        %get3A_239 = tpu.vector_load %arg6[%get3A_236, %get3A_237, %get3A_238] {strides = array<i32>} : memref<2x200x128xf32, #tpu.memory_space<vmem>>, vector<1x1x16xf32>,
        %get3A_240 = vector.shape_cast %get3A_239 : vector<1x1x16xf32> to vector<16xf32>
        %add3A_241 = arith.constant 2 : i32
        %add3A_242 = arith.addi %mul3A_153, %add3A_241 : i32
        %get3A_243 = arith.constant 1 : i32
        %get3A_244 = arith.index_cast %get3A_243 : i32 to index
        %get3A_245 = arith.index_cast %add3A_242 : i32 to index
        %get3A_246 = arith.constant 16 : index
        %get3A_247 = tpu.vector_load %arg6[%get3A_244, %get3A_245, %get3A_246] {strides = array<i32>} : memref<2x200x128xf32, #tpu.memory_space<vmem>>, vector<1x1x16xf32>,
        %get3A_248 = vector.shape_cast %get3A_247 : vector<1x1x16xf32> to vector<16xf32>
        %add3A_249 = arith.constant 3 : i32
        %add3A_250 = arith.addi %mul3A_153, %add3A_249 : i32
        %get3A_251 = arith.constant 1 : i32
        %get3A_252 = arith.index_cast %get3A_251 : i32 to index
        %get3A_253 = arith.index_cast %add3A_250 : i32 to index
        %get3A_254 = arith.constant 16 : index
        %get3A_255 = tpu.vector_load %arg6[%get3A_252, %get3A_253, %get3A_254] {strides = array<i32>} : memref<2x200x128xf32, #tpu.memory_space<vmem>>, vector<1x1x16xf32>,
        %get3A_256 = vector.shape_cast %get3A_255 : vector<1x1x16xf32> to vector<16xf32>
        %add3A_257 = arith.constant 4 : i32
        %add3A_258 = arith.addi %mul3A_153, %add3A_257 : i32
        %get3A_259 = arith.constant 1 : i32
        %get3A_260 = arith.index_cast %get3A_259 : i32 to index
        %get3A_261 = arith.index_cast %add3A_258 : i32 to index
        %get3A_262 = arith.constant 16 : index
        %get3A_263 = tpu.vector_load %arg6[%get3A_260, %get3A_261, %get3A_262] {strides = array<i32>} : memref<2x200x128xf32, #tpu.memory_space<vmem>>, vector<1x1x16xf32>,
        %get3A_264 = vector.shape_cast %get3A_263 : vector<1x1x16xf32> to vector<16xf32>
        %add3A_265 = arith.constant 5 : i32
        %add3A_266 = arith.addi %mul3A_153, %add3A_265 : i32
        %get3A_267 = arith.constant 1 : i32
        %get3A_268 = arith.index_cast %get3A_267 : i32 to index
        %get3A_269 = arith.index_cast %add3A_266 : i32 to index
        %get3A_270 = arith.constant 16 : index
        %get3A_271 = tpu.vector_load %arg6[%get3A_268, %get3A_269, %get3A_270] {strides = array<i32>} : memref<2x200x128xf32, #tpu.memory_space<vmem>>, vector<1x1x16xf32>,
        %get3A_272 = vector.shape_cast %get3A_271 : vector<1x1x16xf32> to vector<16xf32>
        %add3A_273 = arith.constant 6 : i32
        %add3A_274 = arith.addi %mul3A_153, %add3A_273 : i32
        %get3A_275 = arith.constant 1 : i32
        %get3A_276 = arith.index_cast %get3A_275 : i32 to index
        %get3A_277 = arith.index_cast %add3A_274 : i32 to index
        %get3A_278 = arith.constant 16 : index
        %get3A_279 = tpu.vector_load %arg6[%get3A_276, %get3A_277, %get3A_278] {strides = array<i32>} : memref<2x200x128xf32, #tpu.memory_space<vmem>>, vector<1x1x16xf32>,
        %get3A_280 = vector.shape_cast %get3A_279 : vector<1x1x16xf32> to vector<16xf32>
        %add3A_281 = arith.constant 7 : i32
        %add3A_282 = arith.addi %mul3A_153, %add3A_281 : i32
        %get3A_283 = arith.constant 1 : i32
        %get3A_284 = arith.index_cast %get3A_283 : i32 to index
        %get3A_285 = arith.index_cast %add3A_282 : i32 to index
        %get3A_286 = arith.constant 16 : index
        %get3A_287 = tpu.vector_load %arg6[%get3A_284, %get3A_285, %get3A_286] {strides = array<i32>} : memref<2x200x128xf32, #tpu.memory_space<vmem>>, vector<1x1x16xf32>,
        %get3A_288 = vector.shape_cast %get3A_287 : vector<1x1x16xf32> to vector<16xf32>
        %add3A_289 = arith.addf %get3A_232, %get3A_240 : vector<16xf32>
        %add3A_290 = arith.addf %get3A_248, %get3A_256 : vector<16xf32>
        %add3A_291 = arith.addf %add3A_289, %add3A_290 : vector<16xf32>
        %add3A_292 = arith.addf %get3A_264, %get3A_272 : vector<16xf32>
        %add3A_293 = arith.addf %get3A_280, %get3A_288 : vector<16xf32>
        %add3A_294 = arith.addf %add3A_292, %add3A_293 : vector<16xf32>
        %add3A_295 = arith.addf %add3A_291, %add3A_294 : vector<16xf32>
        %add3A_296 = arith.addf %scan3A_149, %add3A_295 : vector<16xf32>
        %add3A_297 = arith.constant 0 : i32
        %add3A_298 = arith.addi %mul3A_153, %add3A_297 : i32
        %get3A_299 = arith.constant 1 : i32
        %get3A_300 = arith.index_cast %get3A_299 : i32 to index
        %get3A_301 = arith.index_cast %add3A_298 : i32 to index
        %get3A_302 = arith.constant 32 : index
        %get3A_303 = tpu.vector_load %arg6[%get3A_300, %get3A_301, %get3A_302] {strides = array<i32>} : memref<2x200x128xf32, #tpu.memory_space<vmem>>, vector<1x1x16xf32>,
        %get3A_304 = vector.shape_cast %get3A_303 : vector<1x1x16xf32> to vector<16xf32>
        %add3A_305 = arith.constant 1 : i32
        %add3A_306 = arith.addi %mul3A_153, %add3A_305 : i32
        %get3A_307 = arith.constant 1 : i32
        %get3A_308 = arith.index_cast %get3A_307 : i32 to index
        %get3A_309 = arith.index_cast %add3A_306 : i32 to index
        %get3A_310 = arith.constant 32 : index
        %get3A_311 = tpu.vector_load %arg6[%get3A_308, %get3A_309, %get3A_310] {strides = array<i32>} : memref<2x200x128xf32, #tpu.memory_space<vmem>>, vector<1x1x16xf32>,
        %get3A_312 = vector.shape_cast %get3A_311 : vector<1x1x16xf32> to vector<16xf32>
        %add3A_313 = arith.constant 2 : i32
        %add3A_314 = arith.addi %mul3A_153, %add3A_313 : i32
        %get3A_315 = arith.constant 1 : i32
        %get3A_316 = arith.index_cast %get3A_315 : i32 to index
        %get3A_317 = arith.index_cast %add3A_314 : i32 to index
        %get3A_318 = arith.constant 32 : index
        %get3A_319 = tpu.vector_load %arg6[%get3A_316, %get3A_317, %get3A_318] {strides = array<i32>} : memref<2x200x128xf32, #tpu.memory_space<vmem>>, vector<1x1x16xf32>,
        %get3A_320 = vector.shape_cast %get3A_319 : vector<1x1x16xf32> to vector<16xf32>
        %add3A_321 = arith.constant 3 : i32
        %add3A_322 = arith.addi %mul3A_153, %add3A_321 : i32
        %get3A_323 = arith.constant 1 : i32
        %get3A_324 = arith.index_cast %get3A_323 : i32 to index
        %get3A_325 = arith.index_cast %add3A_322 : i32 to index
        %get3A_326 = arith.constant 32 : index
        %get3A_327 = tpu.vector_load %arg6[%get3A_324, %get3A_325, %get3A_326] {strides = array<i32>} : memref<2x200x128xf32, #tpu.memory_space<vmem>>, vector<1x1x16xf32>,
        %get3A_328 = vector.shape_cast %get3A_327 : vector<1x1x16xf32> to vector<16xf32>
        %add3A_329 = arith.constant 4 : i32
        %add3A_330 = arith.addi %mul3A_153, %add3A_329 : i32
        %get3A_331 = arith.constant 1 : i32
        %get3A_332 = arith.index_cast %get3A_331 : i32 to index
        %get3A_333 = arith.index_cast %add3A_330 : i32 to index
        %get3A_334 = arith.constant 32 : index
        %get3A_335 = tpu.vector_load %arg6[%get3A_332, %get3A_333, %get3A_334] {strides = array<i32>} : memref<2x200x128xf32, #tpu.memory_space<vmem>>, vector<1x1x16xf32>,
        %get3A_336 = vector.shape_cast %get3A_335 : vector<1x1x16xf32> to vector<16xf32>
        %add3A_337 = arith.constant 5 : i32
        %add3A_338 = arith.addi %mul3A_153, %add3A_337 : i32
        %get3A_339 = arith.constant 1 : i32
        %get3A_340 = arith.index_cast %get3A_339 : i32 to index
        %get3A_341 = arith.index_cast %add3A_338 : i32 to index
        %get3A_342 = arith.constant 32 : index
        %get3A_343 = tpu.vector_load %arg6[%get3A_340, %get3A_341, %get3A_342] {strides = array<i32>} : memref<2x200x128xf32, #tpu.memory_space<vmem>>, vector<1x1x16xf32>,
        %get3A_344 = vector.shape_cast %get3A_343 : vector<1x1x16xf32> to vector<16xf32>
        %add3A_345 = arith.constant 6 : i32
        %add3A_346 = arith.addi %mul3A_153, %add3A_345 : i32
        %get3A_347 = arith.constant 1 : i32
        %get3A_348 = arith.index_cast %get3A_347 : i32 to index
        %get3A_349 = arith.index_cast %add3A_346 : i32 to index
        %get3A_350 = arith.constant 32 : index
        %get3A_351 = tpu.vector_load %arg6[%get3A_348, %get3A_349, %get3A_350] {strides = array<i32>} : memref<2x200x128xf32, #tpu.memory_space<vmem>>, vector<1x1x16xf32>,
        %get3A_352 = vector.shape_cast %get3A_351 : vector<1x1x16xf32> to vector<16xf32>
        %add3A_353 = arith.constant 7 : i32
        %add3A_354 = arith.addi %mul3A_153, %add3A_353 : i32
        %get3A_355 = arith.constant 1 : i32
        %get3A_356 = arith.index_cast %get3A_355 : i32 to index
        %get3A_357 = arith.index_cast %add3A_354 : i32 to index
        %get3A_358 = arith.constant 32 : index
        %get3A_359 = tpu.vector_load %arg6[%get3A_356, %get3A_357, %get3A_358] {strides = array<i32>} : memref<2x200x128xf32, #tpu.memory_space<vmem>>, vector<1x1x16xf32>,
        %get3A_360 = vector.shape_cast %get3A_359 : vector<1x1x16xf32> to vector<16xf32>
        %add3A_361 = arith.addf %get3A_304, %get3A_312 : vector<16xf32>
        %add3A_362 = arith.addf %get3A_320, %get3A_328 : vector<16xf32>
        %add3A_363 = arith.addf %add3A_361, %add3A_362 : vector<16xf32>
        %add3A_364 = arith.addf %get3A_336, %get3A_344 : vector<16xf32>
        %add3A_365 = arith.addf %get3A_352, %get3A_360 : vector<16xf32>
        %add3A_366 = arith.addf %add3A_364, %add3A_365 : vector<16xf32>
        %add3A_367 = arith.addf %add3A_363, %add3A_366 : vector<16xf32>
        %add3A_368 = arith.addf %scan3A_150, %add3A_367 : vector<16xf32>
        %add3A_369 = arith.constant 0 : i32
        %add3A_370 = arith.addi %mul3A_153, %add3A_369 : i32
        %get3A_371 = arith.constant 1 : i32
        %get3A_372 = arith.index_cast %get3A_371 : i32 to index
        %get3A_373 = arith.index_cast %add3A_370 : i32 to index
        %get3A_374 = arith.constant 48 : index
        %get3A_375 = tpu.vector_load %arg6[%get3A_372, %get3A_373, %get3A_374] {strides = array<i32>} : memref<2x200x128xf32, #tpu.memory_space<vmem>>, vector<1x1x16xf32>,
        %get3A_376 = vector.shape_cast %get3A_375 : vector<1x1x16xf32> to vector<16xf32>
        %add3A_377 = arith.constant 1 : i32
        %add3A_378 = arith.addi %mul3A_153, %add3A_377 : i32
        %get3A_379 = arith.constant 1 : i32
        %get3A_380 = arith.index_cast %get3A_379 : i32 to index
        %get3A_381 = arith.index_cast %add3A_378 : i32 to index
        %get3A_382 = arith.constant 48 : index
        %get3A_383 = tpu.vector_load %arg6[%get3A_380, %get3A_381, %get3A_382] {strides = array<i32>} : memref<2x200x128xf32, #tpu.memory_space<vmem>>, vector<1x1x16xf32>,
        %get3A_384 = vector.shape_cast %get3A_383 : vector<1x1x16xf32> to vector<16xf32>
        %add3A_385 = arith.constant 2 : i32
        %add3A_386 = arith.addi %mul3A_153, %add3A_385 : i32
        %get3A_387 = arith.constant 1 : i32
        %get3A_388 = arith.index_cast %get3A_387 : i32 to index
        %get3A_389 = arith.index_cast %add3A_386 : i32 to index
        %get3A_390 = arith.constant 48 : index
        %get3A_391 = tpu.vector_load %arg6[%get3A_388, %get3A_389, %get3A_390] {strides = array<i32>} : memref<2x200x128xf32, #tpu.memory_space<vmem>>, vector<1x1x16xf32>,
        %get3A_392 = vector.shape_cast %get3A_391 : vector<1x1x16xf32> to vector<16xf32>
        %add3A_393 = arith.constant 3 : i32
        %add3A_394 = arith.addi %mul3A_153, %add3A_393 : i32
        %get3A_395 = arith.constant 1 : i32
        %get3A_396 = arith.index_cast %get3A_395 : i32 to index
        %get3A_397 = arith.index_cast %add3A_394 : i32 to index
        %get3A_398 = arith.constant 48 : index
        %get3A_399 = tpu.vector_load %arg6[%get3A_396, %get3A_397, %get3A_398] {strides = array<i32>} : memref<2x200x128xf32, #tpu.memory_space<vmem>>, vector<1x1x16xf32>,
        %get3A_400 = vector.shape_cast %get3A_399 : vector<1x1x16xf32> to vector<16xf32>
        %add3A_401 = arith.constant 4 : i32
        %add3A_402 = arith.addi %mul3A_153, %add3A_401 : i32
        %get3A_403 = arith.constant 1 : i32
        %get3A_404 = arith.index_cast %get3A_403 : i32 to index
        %get3A_405 = arith.index_cast %add3A_402 : i32 to index
        %get3A_406 = arith.constant 48 : index
        %get3A_407 = tpu.vector_load %arg6[%get3A_404, %get3A_405, %get3A_406] {strides = array<i32>} : memref<2x200x128xf32, #tpu.memory_space<vmem>>, vector<1x1x16xf32>,
        %get3A_408 = vector.shape_cast %get3A_407 : vector<1x1x16xf32> to vector<16xf32>
        %add3A_409 = arith.constant 5 : i32
        %add3A_410 = arith.addi %mul3A_153, %add3A_409 : i32
        %get3A_411 = arith.constant 1 : i32
        %get3A_412 = arith.index_cast %get3A_411 : i32 to index
        %get3A_413 = arith.index_cast %add3A_410 : i32 to index
        %get3A_414 = arith.constant 48 : index
        %get3A_415 = tpu.vector_load %arg6[%get3A_412, %get3A_413, %get3A_414] {strides = array<i32>} : memref<2x200x128xf32, #tpu.memory_space<vmem>>, vector<1x1x16xf32>,
        %get3A_416 = vector.shape_cast %get3A_415 : vector<1x1x16xf32> to vector<16xf32>
        %add3A_417 = arith.constant 6 : i32
        %add3A_418 = arith.addi %mul3A_153, %add3A_417 : i32
        %get3A_419 = arith.constant 1 : i32
        %get3A_420 = arith.index_cast %get3A_419 : i32 to index
        %get3A_421 = arith.index_cast %add3A_418 : i32 to index
        %get3A_422 = arith.constant 48 : index
        %get3A_423 = tpu.vector_load %arg6[%get3A_420, %get3A_421, %get3A_422] {strides = array<i32>} : memref<2x200x128xf32, #tpu.memory_space<vmem>>, vector<1x1x16xf32>,
        %get3A_424 = vector.shape_cast %get3A_423 : vector<1x1x16xf32> to vector<16xf32>
        %add3A_425 = arith.constant 7 : i32
        %add3A_426 = arith.addi %mul3A_153, %add3A_425 : i32
        %get3A_427 = arith.constant 1 : i32
        %get3A_428 = arith.index_cast %get3A_427 : i32 to index
        %get3A_429 = arith.index_cast %add3A_426 : i32 to index
        %get3A_430 = arith.constant 48 : index
        %get3A_431 = tpu.vector_load %arg6[%get3A_428, %get3A_429, %get3A_430] {strides = array<i32>} : memref<2x200x128xf32, #tpu.memory_space<vmem>>, vector<1x1x16xf32>,
        %get3A_432 = vector.shape_cast %get3A_431 : vector<1x1x16xf32> to vector<16xf32>
        %add3A_433 = arith.addf %get3A_376, %get3A_384 : vector<16xf32>
        %add3A_434 = arith.addf %get3A_392, %get3A_400 : vector<16xf32>
        %add3A_435 = arith.addf %add3A_433, %add3A_434 : vector<16xf32>
        %add3A_436 = arith.addf %get3A_408, %get3A_416 : vector<16xf32>
        %add3A_437 = arith.addf %get3A_424, %get3A_432 : vector<16xf32>
        %add3A_438 = arith.addf %add3A_436, %add3A_437 : vector<16xf32>
        %add3A_439 = arith.addf %add3A_435, %add3A_438 : vector<16xf32>
        %add3A_440 = arith.addf %scan3A_151, %add3A_439 : vector<16xf32>
        scf.yield %add3A_224, %add3A_296, %add3A_368, %add3A_440 : vector<16xf32>, vector<16xf32>, vector<16xf32>, vector<16xf32>
      }
      %scan3A_126 = arith.constant 25 : i32
      %swap3A_127 = arith.index_cast %add3A_118 : i32 to index
      %swap3A_128 = arith.constant 0 : index
      %swap3A_129 = tpu.vector_load %arg7[%swap3A_127, %swap3A_128] {strides = array<i32>} : memref<128x64xf32, #tpu.memory_space<vmem>>, vector<1x16xf32>,
      %swap3A_130 = vector.shape_cast %swap3A_129 : vector<1x16xf32> to vector<16xf32>
      %swap3A_131 = vector.shape_cast %scan3A_125#0 : vector<16xf32> to vector<1x16xf32>
      tpu.vector_store %arg7[%swap3A_127, %swap3A_128], %swap3A_131 {strides = array<i32>} : memref<128x64xf32, #tpu.memory_space<vmem>>, vector<1x16xf32>,
      %swap3A_132 = arith.index_cast %add3A_118 : i32 to index
      %swap3A_133 = arith.constant 16 : index
      %swap3A_134 = tpu.vector_load %arg7[%swap3A_132, %swap3A_133] {strides = array<i32>} : memref<128x64xf32, #tpu.memory_space<vmem>>, vector<1x16xf32>,
      %swap3A_135 = vector.shape_cast %swap3A_134 : vector<1x16xf32> to vector<16xf32>
      %swap3A_136 = vector.shape_cast %scan3A_125#1 : vector<16xf32> to vector<1x16xf32>
      tpu.vector_store %arg7[%swap3A_132, %swap3A_133], %swap3A_136 {strides = array<i32>} : memref<128x64xf32, #tpu.memory_space<vmem>>, vector<1x16xf32>,
      %swap3A_137 = arith.index_cast %add3A_118 : i32 to index
      %swap3A_138 = arith.constant 32 : index
      %swap3A_139 = tpu.vector_load %arg7[%swap3A_137, %swap3A_138] {strides = array<i32>} : memref<128x64xf32, #tpu.memory_space<vmem>>, vector<1x16xf32>,
      %swap3A_140 = vector.shape_cast %swap3A_139 : vector<1x16xf32> to vector<16xf32>
      %swap3A_141 = vector.shape_cast %scan3A_125#2 : vector<16xf32> to vector<1x16xf32>
      tpu.vector_store %arg7[%swap3A_137, %swap3A_138], %swap3A_141 {strides = array<i32>} : memref<128x64xf32, #tpu.memory_space<vmem>>, vector<1x16xf32>,
      %swap3A_142 = arith.index_cast %add3A_118 : i32 to index
      %swap3A_143 = arith.constant 48 : index
      %swap3A_144 = tpu.vector_load %arg7[%swap3A_142, %swap3A_143] {strides = array<i32>} : memref<128x64xf32, #tpu.memory_space<vmem>>, vector<1x16xf32>,
      %swap3A_145 = vector.shape_cast %swap3A_144 : vector<1x16xf32> to vector<16xf32>
      %swap3A_146 = vector.shape_cast %scan3A_125#3 : vector<16xf32> to vector<1x16xf32>
      tpu.vector_store %arg7[%swap3A_142, %swap3A_143], %swap3A_146 {strides = array<i32>} : memref<128x64xf32, #tpu.memory_space<vmem>>, vector<1x16xf32>,
    }
    %scan3A_30 = arith.constant 64 : i32
    "tpu.region"() ({
      %run_scoped3A = tpu.sem_alloc : memref<!tpu.dma_semaphore, #tpu.memory_space<semaphore_mem>>
      %dma_start3A_31 = arith.constant 0 : i32
      %dma_start3A_32 = tpu.memref_slice %arg4[%mul3A_2, %dma_start3A_31] : memref<4096x64xf32, #tpu.memory_space<hbm>> -> memref<128x64xf32, #tpu.memory_space<hbm>>
      %dma_start3A_33 = arith.constant 0 : i32
      %dma_start3A_34 = tpu.memref_slice %arg4[%mul3A_2, %dma_start3A_33] : memref<4096x64xf32, #tpu.memory_space<hbm>> -> memref<128x64xf32, #tpu.memory_space<hbm>>
      tpu.enqueue_dma source(%arg7 : memref<128x64xf32, #tpu.memory_space<vmem>>) target(%dma_start3A_34 : memref<128x64xf32, #tpu.memory_space<hbm>>) target_semaphore(%run_scoped3A : memref<!tpu.dma_semaphore, #tpu.memory_space<semaphore_mem>>)
      %dma_wait3A = arith.constant 0 : i32
      %dma_wait3A_35 = tpu.memref_slice %arg4[%mul3A_2, %dma_wait3A] : memref<4096x64xf32, #tpu.memory_space<hbm>> -> memref<128x64xf32, #tpu.memory_space<hbm>>
      %dma_wait3A_36 = arith.constant 0 : i32
      %dma_wait3A_37 = tpu.memref_slice %arg4[%mul3A_2, %dma_wait3A_36] : memref<4096x64xf32, #tpu.memory_space<hbm>> -> memref<128x64xf32, #tpu.memory_space<hbm>>
      tpu.wait_dma2 semaphore(%run_scoped3A : memref<!tpu.dma_semaphore, #tpu.memory_space<semaphore_mem>>) src(%arg7 : memref<128x64xf32, #tpu.memory_space<vmem>>) dst(%dma_wait3A_37 : memref<128x64xf32, #tpu.memory_space<hbm>>)
      tpu.yield
    }) : () -> ()
    return
  }
}

module attributes {stable_mosaic.version = 14 : i64} {
  func.func @body(%arg0: i32, %arg1: memref<64x16384xf32, #tpu.memory_space<vmem>>, %arg2: memref<16384x128xf32, #tpu.memory_space<vmem>>) attributes {dimension_semantics = [#tpu.dimension_semantics<arbitrary>], iteration_bounds = array<i64: 62>, scalar_prefetch = 0 : i64, scratch_operands = 0 : i64, tpu.core_type = #tpu.core_type<tc>, window_params = [{transform_indices = @transform_0, window_bounds = array<i64: 64, 16384>}, {transform_indices = @transform_1, window_bounds = array<i64: 16384, 128>}]} {
    %get3A = arith.constant 0 : index
    %get3A_0 = arith.constant 0 : index
    %get3A_1 = vector.load %arg1[%get3A, %get3A_0] : memref<64x16384xf32, #tpu.memory_space<vmem>>, vector<64x16384xf32>
    %transpose3A = tpu.transpose %get3A_1, [1, 0] : vector<64x16384xf32> -> vector<16384x64xf32>
    %swap3A = arith.constant 0 : index
    %swap3A_2 = arith.constant 0 : index
    %swap3A_3 = vector.load %arg2[%swap3A, %swap3A_2] : memref<16384x128xf32, #tpu.memory_space<vmem>>, vector<16384x64xf32>
    tpu.vector_store %arg2[%swap3A, %swap3A_2], %transpose3A {strides = array<i32>} : memref<16384x128xf32, #tpu.memory_space<vmem>>, vector<16384x64xf32>,
    return
  }
  func.func @transform_0(%arg0: i32) -> (i32, i32) {
    %c0_i32 = arith.constant 0 : i32
    %c0_i32_0 = arith.constant 0 : i32
    return %c0_i32, %arg0 : i32, i32
  }
  func.func @transform_1(%arg0: i32) -> (i32, i32) {
    %c0_i32 = arith.constant 0 : i32
    %c0_i32_0 = arith.constant 0 : i32
    return %arg0, %c0_i32 : i32, i32
  }
}

module attributes {stable_mosaic.version = 14 : i64} {
  func.func @mlp_body(%arg0: i32, %arg1: memref<512x64xf32, #tpu.memory_space<vmem>>, %arg2: memref<64x256xf32, #tpu.memory_space<vmem>>, %arg3: memref<1x256xf32, #tpu.memory_space<vmem>>, %arg4: memref<256x20xf32, #tpu.memory_space<vmem>>, %arg5: memref<1x20xf32, #tpu.memory_space<vmem>>, %arg6: memref<512x20xf32, #tpu.memory_space<vmem>>) attributes {dimension_semantics = [#tpu.dimension_semantics<arbitrary>], iteration_bounds = array<i64: 8>, scalar_prefetch = 0 : i64, scratch_operands = 0 : i64, tpu.core_type = #tpu.core_type<tc>, window_params = [{transform_indices = @transform_0, window_bounds = array<i64: 512, 64>}, {pipeline_mode = #tpu.pipeline_mode<synchronous>, transform_indices = @transform_1, window_bounds = array<i64: 64, 256>}, {pipeline_mode = #tpu.pipeline_mode<synchronous>, transform_indices = @transform_2, window_bounds = array<i64: 1, 256>}, {pipeline_mode = #tpu.pipeline_mode<synchronous>, transform_indices = @transform_3, window_bounds = array<i64: 256, 20>}, {pipeline_mode = #tpu.pipeline_mode<synchronous>, transform_indices = @transform_4, window_bounds = array<i64: 1, 20>}, {transform_indices = @transform_5, window_bounds = array<i64: 512, 20>}]} {
    %get3A = arith.constant 0 : index
    %get3A_0 = arith.constant 0 : index
    %get3A_1 = vector.load %arg1[%get3A, %get3A_0] : memref<512x64xf32, #tpu.memory_space<vmem>>, vector<512x64xf32>
    %mul3A = arith.constant 5.000000e-03 : f32
    %mul3A_2 = vector.broadcast %mul3A : f32 to vector<512x64xf32>
    %mul3A_3 = arith.mulf %get3A_1, %mul3A_2 : vector<512x64xf32>
    %get3A_4 = arith.constant 0 : index
    %get3A_5 = arith.constant 0 : index
    %get3A_6 = vector.load %arg2[%get3A_4, %get3A_5] : memref<64x256xf32, #tpu.memory_space<vmem>>, vector<64x256xf32>
    %dot_general3A = arith.constant dense<0.000000e+00> : vector<512x256xf32>
    %dot_general3A_7 = tpu.matmul %mul3A_3, %get3A_6, %dot_general3A {dimension_numbers = #tpu.dot_dimension_numbers<[1], [0], [0], [1], [0, 0, 1, 1], [], []>, transpose_lhs_hint = false} : vector<512x64xf32>, vector<64x256xf32>, vector<512x256xf32> -> vector<512x256xf32>
    %get3A_8 = arith.constant 0 : index
    %get3A_9 = arith.constant 0 : index
    %get3A_10 = vector.load %arg3[%get3A_8, %get3A_9] : memref<1x256xf32, #tpu.memory_space<vmem>>, vector<1x256xf32>
    %add3A = vector.broadcast %get3A_10 : vector<1x256xf32> to vector<512x256xf32>
    %add3A_11 = arith.addf %dot_general3A_7, %add3A : vector<512x256xf32>
    %max3A = arith.constant 0.000000e+00 : f32
    %max3A_12 = vector.broadcast %max3A : f32 to vector<512x256xf32>
    %max3A_13 = arith.maximumf %add3A_11, %max3A_12 : vector<512x256xf32>
    %get3A_14 = arith.constant 0 : index
    %get3A_15 = arith.constant 0 : index
    %get3A_16 = vector.load %arg4[%get3A_14, %get3A_15] : memref<256x20xf32, #tpu.memory_space<vmem>>, vector<256x20xf32>
    %dot_general3A_17 = arith.constant dense<0.000000e+00> : vector<512x20xf32>
    %dot_general3A_18 = tpu.matmul %max3A_13, %get3A_16, %dot_general3A_17 {dimension_numbers = #tpu.dot_dimension_numbers<[1], [0], [0], [1], [0, 0, 1, 1], [], []>, transpose_lhs_hint = false} : vector<512x256xf32>, vector<256x20xf32>, vector<512x20xf32> -> vector<512x20xf32>
    %get3A_19 = arith.constant 0 : index
    %get3A_20 = arith.constant 0 : index
    %get3A_21 = vector.load %arg5[%get3A_19, %get3A_20] : memref<1x20xf32, #tpu.memory_space<vmem>>, vector<1x20xf32>
    %add3A_22 = vector.broadcast %get3A_21 : vector<1x20xf32> to vector<512x20xf32>
    %add3A_23 = arith.addf %dot_general3A_18, %add3A_22 : vector<512x20xf32>
    %swap3A = arith.constant 0 : index
    %swap3A_24 = arith.constant 0 : index
    %swap3A_25 = vector.load %arg6[%swap3A, %swap3A_24] : memref<512x20xf32, #tpu.memory_space<vmem>>, vector<512x20xf32>
    tpu.vector_store %arg6[%swap3A, %swap3A_24], %add3A_23 {strides = array<i32>} : memref<512x20xf32, #tpu.memory_space<vmem>>, vector<512x20xf32>,
    return
  }
  func.func @transform_0(%arg0: i32) -> (i32, i32) {
    %c0_i32 = arith.constant 0 : i32
    %c0_i32_0 = arith.constant 0 : i32
    return %arg0, %c0_i32 : i32, i32
  }
  func.func @transform_1(%arg0: i32) -> (i32, i32) {
    %c0_i32 = arith.constant 0 : i32
    %c0_i32_0 = arith.constant 0 : i32
    %c0_i32_1 = arith.constant 0 : i32
    return %c0_i32, %c0_i32_0 : i32, i32
  }
  func.func @transform_2(%arg0: i32) -> (i32, i32) {
    %c0_i32 = arith.constant 0 : i32
    %c0_i32_0 = arith.constant 0 : i32
    %c0_i32_1 = arith.constant 0 : i32
    return %c0_i32, %c0_i32_0 : i32, i32
  }
  func.func @transform_3(%arg0: i32) -> (i32, i32) {
    %c0_i32 = arith.constant 0 : i32
    %c0_i32_0 = arith.constant 0 : i32
    %c0_i32_1 = arith.constant 0 : i32
    return %c0_i32, %c0_i32_0 : i32, i32
  }
  func.func @transform_4(%arg0: i32) -> (i32, i32) {
    %c0_i32 = arith.constant 0 : i32
    %c0_i32_0 = arith.constant 0 : i32
    %c0_i32_1 = arith.constant 0 : i32
    return %c0_i32, %c0_i32_0 : i32, i32
  }
  func.func @transform_5(%arg0: i32) -> (i32, i32) {
    %c0_i32 = arith.constant 0 : i32
    %c0_i32_0 = arith.constant 0 : i32
    return %arg0, %c0_i32 : i32, i32
  }
}

</mosaic_0001>

<sc_bundles>
// kernel: kernel.5.cloned.1.call-start
scs
__scs_entry_jumppad:
0x0: {  	(pc) =	sbr.rel $0x88, $3  }
0x1: {  	(tag) =	ssettag $0x0;
	lr =	simm.s32 $0x1  }
0x2: {  	[smem:$0x3F9B] =	sst lr;
	_ =	strace $0xD0000000  }
0x3: {  	_ = 	snop  }
0x4: {  	_ = 	snop  }
0x5: {  	_ = 	snop  }
0x6: {  	_ = 	snop  }
0x7: {  	_ = 	snop  }
__scs_overlays_trampoline_lowered:
0x8: {  	[smem:$0x3FAA] =	sst s0  }
0x9: {  	[smem:$0x3FAB] =	sst s1  }
0xa: {  	[smem:$0x3FAC] =	sst s2  }
0xb: {  	[smem:$0x3FAD] =	sst s3  }
0xc: {  	[smem:$0x3FAE] =	sst s4  }
0xd: {  	[smem:$0x3FAF] =	sst s5  }
0xe: {  	[smem:$0x3FB0] =	sst s6  }
0xf: {  	[smem:$0x3FB1] =	sst s7  }
0x10: {  	[smem:$0x3FB2] =	sst s8  }
0x11: {  	[smem:$0x3FB3] =	sst s9;
	s0 =	simm.s32 @!p0 $0x0  }
0x12: {  	s1 =	sld [smem:$0x3F99];
	s0 =	simm.s32 @p0 $0x1  }
0x13: {  	[smem:$0x3FB4] =	sst s0;
	s0 =	simm.s32 @!p1 $0x0  }
0x14: {  	s2 =	sld [smem:$0x3F98];
	s0 =	simm.s32 @p1 $0x1  }
0x15: {  	[smem:$0x3FB5] =	sst s0;
	s0 =	simm.s32 @!p2 $0x0  }
0x16: {  	s3 =	sld [smem:$0x3FDB];
	s0 =	simm.s32 @p2 $0x1  }
0x17: {  	s4 =	simm.s32 $0x1BF5;
	[smem:$0x3FB7] =	sst s0  }
0x18: {  	s0 =	sld [smem:$0x3F9A];
	_ =	swait.ge [sflag:s4], $0x0  }
0x19: {  	s7 =	sld [smem:$0x3F9B]  }
0x1a: {  	s8 =	sadd.s32 $0xFFFFE003, lr  }
0x1b: {  	s9 =	sadd.s32 $0xFFFFFEF7, lr;
	s5 =	simm.s32 $0xFFFFFFFF;
	p2 =	slt.u32 s8, $0xFFFFF086  }
0x1c: {  	p1 =	slt.u32 s9, $0xF7A;
	s5 =	simm.s32 @!p2 $0x0  }
0x1d: {  	s5 =	simm.s32 @p1 $0x1;
	p0 =	seq.s32 s7, s2  }
0x1e: {  	s7 =	smul.u32 @!p0 $0xF7A, s2;
	p2 =	seq.s32 @!p0 s5, $0x0  }
0x1f: {  	s9 =	smul.u32 $0xF7A, s1;
	s8 =	simm.s32 @!p0 $0x1BF5;
	p2 =	por !p2, p0  }
0x20: {  	[sflag:s8] =	ssyncset.s32 @!p0 $0xFFFFF086;
	s6 =	sadd.s32 @!p0 s3, s7;
	s7 =	simm.s32 @!p0 $0x108  }
0x21: {  	s3 =	sadd.s32 s3, s9;
	s6 =	sadd.s32 @!p0 $0x88, s6;
	s7 =	simm.s32 @p2 $0x1082  }
0x22: {  	[simem:s7], [sflag:s8] =	dma.local @!p0 [hbm:s6], $0xF7A  }
0x23: {  	s9 =	sor.u32 $0xD0000000, s2;
	s6 =	simm.s32 $0x108;
	_ =	swait.ge @!p0 [sflag:s8], $0x0  }
0x24: {  	s3 =	sadd.s32 $0x88, s3;
	s6 =	simm.s32 @!p1 $0x1082;
	[sflag:s4] =	ssyncset.s32 $0xFFFFF086  }
0x25: {  	[simem:s6], [sflag:s4] =	dma.local [hbm:s3], $0xF7A  }
0x26: {  	[smem:$0x3F9B] =	sst s1;
	(tag) =	ssettag s2;
	_ =	strace s9  }
0x27: {  	s1 =	sld [smem:$0x3FAB]  }
0x28: {  	s2 =	sld [smem:$0x3FAC]  }
0x29: {  	s4 =	sld [smem:$0x3FAE]  }
0x2a: {  	p0 =	seq.s32 s5, $0x0;
	s5 =	sld [smem:$0x3FAF]  }
0x2b: {  	s6 =	sld [smem:$0x3FB0]  }
0x2c: {  	s7 =	sld [smem:$0x3FB1]  }
0x2d: {  	s3 =	simm.s32 $0x108;
	s8 =	sld [smem:$0x3FB2]  }
0x2e: {  	s3 =	simm.s32 @!p0 $0x1082;
	s9 =	sld [smem:$0x3FB3]  }
0x2f: {  	lr =	sadd.s32 s0, s3;
	s0 =	sld [smem:$0x3FAA]  }
0x30: {  	s3 =	sld [smem:$0x3FAD]  }
0x31: {  	[smem:$0x3FB6] =	sst s10  }
0x32: {  	s10 =	sld [smem:$0x3FB4];
	_ =	sdelay $0x3  }
0x33: {  	p0 =	seq.s32 s10, $0x1;
	s10 =	sld [smem:$0x3FB6];
	_ =	sdelay $0x3  }
0x34: {  	[smem:$0x3FB6] =	sst s10  }
0x35: {  	s10 =	sld [smem:$0x3FB5];
	_ =	sdelay $0x3  }
0x36: {  	p1 =	seq.s32 s10, $0x1;
	s10 =	sld [smem:$0x3FB6];
	_ =	sdelay $0x3  }
0x37: {  	[smem:$0x3FB6] =	sst s10  }
0x38: {  	s10 =	sld [smem:$0x3FB7]  }
0x39: {  	_ = 	snop;
	(pc) =	sbr.ind lr, $3  }
0x3a: {  	_ = 	snop  }
0x3b: {  	_ = 	snop  }
0x3c: {  	p2 =	seq.s32 s10, $0x1;
	s10 =	sld [smem:$0x3FB6]  }
0x3d: {  	_ =	shalt  }
0x3e: {  	_ =	shalt  }
0x3f: {  	_ =	shalt  }
0x40: {  	_ =	shalt  }
0x41: {  	_ =	shalt  }
0x42: {  	_ =	shalt  }
0x43: {  	_ =	shalt  }
0x44: {  	_ =	shalt  }
0x45: {  	_ =	shalt  }
0x46: {  	_ =	shalt  }
0x47: {  	_ =	shalt  }
0x48: {  	_ =	shalt  }
0x49: {  	_ =	shalt  }
0x4a: {  	_ =	shalt  }
0x4b: {  	_ =	shalt  }
0x4c: {  	_ =	shalt  }
0x4d: {  	_ =	shalt  }
0x4e: {  	_ =	shalt  }
0x4f: {  	_ =	shalt  }
0x50: {  	_ =	shalt  }
0x51: {  	_ =	shalt  }
0x52: {  	_ =	shalt  }
0x53: {  	_ =	shalt  }
0x54: {  	_ =	shalt  }
0x55: {  	_ =	shalt  }
0x56: {  	_ =	shalt  }
0x57: {  	_ =	shalt  }
0x58: {  	_ =	shalt  }
0x59: {  	_ =	shalt  }
0x5a: {  	_ =	shalt  }
0x5b: {  	_ =	shalt  }
0x5c: {  	_ =	shalt  }
0x5d: {  	_ =	shalt  }
0x5e: {  	_ =	shalt  }
0x5f: {  	_ =	shalt  }
0x60: {  	_ =	shalt  }
0x61: {  	_ =	shalt  }
0x62: {  	_ =	shalt  }
0x63: {  	_ =	shalt  }
0x64: {  	_ =	shalt  }
0x65: {  	_ =	shalt  }
0x66: {  	_ =	shalt  }
0x67: {  	_ =	shalt  }
0x68: {  	_ =	shalt  }
0x69: {  	_ =	shalt  }
0x6a: {  	_ =	shalt  }
0x6b: {  	_ =	shalt  }
0x6c: {  	_ =	shalt  }
0x6d: {  	_ =	shalt  }
0x6e: {  	_ =	shalt  }
0x6f: {  	_ =	shalt  }
0x70: {  	_ =	shalt  }
0x71: {  	_ =	shalt  }
0x72: {  	_ =	shalt  }
0x73: {  	_ =	shalt  }
0x74: {  	_ =	shalt  }
0x75: {  	_ =	shalt  }
0x76: {  	_ =	shalt  }
0x77: {  	_ =	shalt  }
0x78: {  	_ =	shalt  }
0x79: {  	_ =	shalt  }
0x7a: {  	_ =	shalt  }
0x7b: {  	_ =	shalt  }
0x7c: {  	_ =	shalt  }
0x7d: {  	_ =	shalt  }
0x7e: {  	_ =	shalt  }
0x7f: {  	_ =	shalt  }
0x80: {  	_ =	shalt  }
0x81: {  	_ =	shalt  }
0x82: {  	_ =	shalt  }
0x83: {  	_ =	shalt  }
0x84: {  	_ =	shalt  }
0x85: {  	_ =	shalt  }
0x86: {  	_ =	shalt  }
0x87: {  	_ =	shalt  }
.Lfunc_end0:
.L_simem_size_0:
called_computation_lowered:
.L_overlay_start_0:
0x88: {  	s2 =	sld [smem:$0x3FD9]  }
0x89: {  	s3 =	sld [smem:$0x3FFE];
	_ =	sdelay $0x1  }
0x8a: {  	s1 =	srdreg.scid  }
0x8b: {  	s0 =	sand.u32 $0x1, s1  }
0x8c: {  	s16 =	sshll.u32 s0, $0xA;
	s2 =	sadd.s32 s3, s2  }
0x8d: {  	s2 =	sadd.s32 s2, s16  }
0x8e: {  	[smem:$0x3FC2] =	sst s2  }
0x8f: {  	_ = 	snop  }
0x90: {  	(tm) =	ssettm $0x1  }
0x91: {  	s17 =	sld [smem:$0x3FFB];
	_ =	sdelay $0x3  }
0x92: {  	_ =	strace s17  }
0x93: {  	s2 =	sld [smem:$0x3FFC];
	_ =	sdelay $0x3  }
0x94: {  	_ =	strace s2  }
0x95: {  	s2 =	sld [smem:$0x3FFD];
	_ =	sdelay $0x3  }
0x96: {  	_ =	strace s2  }
0x97: {  	_ =	strace $0x8FFFFFFF  }
0x98: {  	s18 =	sld [smem:$0x3FDB];
	_ =	sdelay $0x1  }
0x99: {  	s19 =	simm.s32 $_scs_section_size  }
0x9a: {  	s4 =	simm.s32 $_size__tile_overlayer_lowered;
	s5 =	simm.s32 $_tile_overlayer_lowered  }
0x9b: {  	s22 =	simm.s32 $0x1BFF;
	s21 =	sshll.u32 s5, $0x1;
	s2 =	sadd.s32 s19, s18  }
0x9c: {  	s6 =	simm.s32 $0x0;
	s20 =	sshll.u32 s4, $0x1;
	s4 =	sadd.s32 s21, s2  }
0x9d: {  	[timem:s6], [sflag:s22] =	dma.local [hbm:s4], s20  }
0x9e: {  	_ =	swait.ge [sflag:s22], s20  }
0x9f: {  	s3 =	ssub.s32 $0x0, s20;
	[sflag:s22] =	ssyncset.done $0x0  }
0xa0: {  	[sflag:s22] =	ssyncadd.s32 s3;
	_ =	sdelay $0x1  }
0xa1: {  	s23 =	simm.s32 $0x1B8B  }
0xa2: {  	_ =	swait.ge [sflag:s23], $0x1  }
0xa3: {  	[sflag:s23] =	ssyncset.done $0x0  }
0xa4: {  	s25 =	simm.s32 $0x1B8E;
	s24 =	sld [smem:$0x3FFE];
	[sflag:s23] =	ssyncadd.s32 $0xFFFFFFFF  }
0xa5: {  	s26 =	simm.s32 $execute0_lowered;
	[smem:$0x3FD2] =	sst s25  }
0xa6: {  	s4 =	sshll.u32 s26, $0x1;
	_ =	strace $0x80000046;
	[dreg:$0x1] =	wrdreg $0xFFFFFFFF  }
0xa7: {  	s28 =	simm.s32 $_size_execute0_lowered;
	s2 =	sadd.s32 s2, s4;
	[dreg:$0x0] =	wrdreg $0x0  }
0xa8: {  	s4 =	sshll.u32 s28, $0x1;
	[dreg:$0x2] =	wrdreg s2  }
0xa9: {  	[dreg:$0x3] =	wrdreg s4  }
0xaa: {  	[dreg:$0x4] =	wrdreg $0xC0  }
0xab: {  	_ =	task [dreg:s6], $0x5FFFF  }
0xac: {  	[dreg:$0x1] =	wrdreg $0xFFFFFFFF  }
0xad: {  	[dreg:$0x0] =	wrdreg $0x60  }
0xae: {  	[dreg:$0x2] =	wrdreg s24  }
0xaf: {  	[dreg:$0x3] =	wrdreg $0x9  }
0xb0: {  	_ =	task.clear_ibuf [dreg:s6], $0x4FFFF;
	_ =	strace $0x90000046  }
0xb1: {  	s29 =	simm.s32 $0x9;
	_ =	strace $0x80000048  }
0xb2: {  	_ =	swait.ge [sflag:s29], $0x1  }
0xb3: {  	[sflag:s29] =	ssyncadd.s32 $0xFFFFFFFF  }
0xb4: {  	_ =	strace $0x90000048  }
0xb5: {  	_ =	sfence  }
0xb6: {  	s30 =	sld [smem:$0x0];
	_ =	sdelay $0x2  }
0xb7: {  	s31 =	sshll.u32 s1, $0xD;
	s1 =	sshrl.u32 s1, $0x2  }
0xb8: {  	s3 =	sand.u32 $0x4000, s31;
	s1 =	sadd.s32 s1, s30  }
0xb9: {  	s0 =	sor.u32 s3, s0;
	s1 =	sshll.u32 s1, $0x11  }
0xba: {  	s0 =	sor.u32 s1, s0  }
0xbb: {  	s0 =	sadd.s32 $0x8F2B, s0  }
0xbc: {  	[sflag:s0] =	ssyncadd.remote.s32 $0x1  }
0xbd: {  	_ =	sfence.sel $0xFFFF  }
0xbe: {  	[dreg:$0x0] =	wrdreg $0xFFFFFFFF;
	(pc) =	sbr.abs _section_cstart, $3  }
0xbf: {  	[dreg:$0x1] =	wrdreg $0xFFFFFFFF  }
0xc0: {  	_ =	task.clear_ibuf [dreg:s6], $0x2FFFF;
	_ =	strace $0x9FFFFFFF  }
0xc1: {  	(tm) =	ssettm $0x7FFFFFFF  }
tec
execute0_lowered:
.L_overlay_start_1:
0x0: {  	(tag) =	ssettag $0x1  }
0x1: {  	s4 =	rddreg [dreg:$0x0];
	s2 =	srdreg.scid  }
0x2: {  	s0 =	rddreg [dreg:$0x1];
	s1 =	stileid.u32  }
0x3: {  	s9 =	simm.s32 $0x8000;
	s10 =	simm.s32 $0x48;
	s11 =	simm.s32 $0x400  }
0x4: {  	s12 =	simm.s32 $0xC000;
	s13 =	simm.s32 $0xE400;
	s14 =	simm.s32 $0x12400  }
0x5: {  	s15 =	simm.s32 $0x1;
	s16 =	simm.s32 $0x2;
	s17 =	simm.s32 $0x14800  }
0x6: {  	s18 =	simm.s32 $0x0;
	s3 =	sand.u32 $0x1, s2;
	s2 =	simm.s32 $0x0  }
0x7: {  	s5 =	sshll.u32 s1, $0x8;
	s6 =	sshll.u32 s3, $0x7;
	[smem:$0x7FF] =	sst s2  }
0x8: {  	s7 =	ssub.s32 $0x2, s3;
	s3 =	sadd.s32 $0x21000, s4;
	s5 =	sor.u32 s6, s5  }
0x9: {  	_ =	strace $0x80000047;
	s8 =	sshrl.u32 s7, $0x1;
	s6 =	sshll.u32 s5, $0x5  }
0xa: {  	s5 =	sshll.u32 s5, $0x4;
	s7 =	ssub.s32 s7, s8;
	s6 =	sadd.s32 s6, s4  }
0xb: {  	s8 =	simm.s32 $0x80;
	s5 =	sadd.s32 s5, s4;
	s4 =	sadd.s32 $0x1000, s6  }
0xc: {  	s5 =	sadd.s32 $0xF63400, s5;
	s6 =	smax.u32 s7, $0x1;
	s7 =	simm.s32 $0x3  }
.LBB2_1:
0xd: {  	[tilespmem:s2], [sflag:$0x3] =	stream.linear.gather [hbm4b:s4+s2], $0x8000, $0x38;
	[tilespmem:$0x18800] =	vst v63  }
0xe: {  	_ =	swait.ge [sflag:s7], $0x8000  }
0xf: {  	[sflag:s7] =	ssyncset.done $0x0  }
0x10: {  	[sflag:s7] =	ssyncadd.s32 $0xFFFF8000  }
0x11: {  	[tilespmem:s9], [sflag:$0x1] =	stream.indirect.gather [hbm4b:s3+s8], $0x80, s2, s8, $0xb8;
	[tilespmem:$0x18800] =	vst v63  }
0x12: {  	s20 =	simm.s32 $0x0  }
0x13: {  	[tilespmem:s12], [sflag:$0x1] =	stream.indirect.gather [hbm4b:s3+s10], $0x80, s11, s10, $0xb8;
	[tilespmem:$0x18800] =	vst v63  }
.LBB2_2:
0x14: {  	s21 =	sshll.u32 s20, $0x8  }
0x15: {  	s22 =	sshll.u32 s20, $0x9;
	s19 =	sor.u32 $0x80, s21  }
0x16: {  	s22 =	sand.u32 $0x7800, s22;
	s23 =	sand.u32 $0x380, s19  }
0x17: {  	s22 =	sor.u32 s23, s22  }
0x18: {  	[tilespmem:s13], [sflag:$0x2] =	stream.indirect.gather [hbm4b:s3+s8], $0x80, s22, s8, $0xb8;
	[tilespmem:$0x18800] =	vst v63  }
0x19: {  	s22 =	sor.u32 $0x400, s22  }
0x1a: {  	[tilespmem:s14], [sflag:$0x2] =	stream.indirect.gather [hbm4b:s3+s10], $0x80, s22, s10, $0xb8;
	[tilespmem:$0x18800] =	vst v63  }
0x1b: {  	_ =	swait.ge [sflag:s15], $0x6400  }
0x1c: {  	[sflag:s15] =	ssyncset.done $0x0  }
0x1d: {  	s31 =	simm.s32 $0x0;
	[sflag:s15] =	ssyncadd.s32 $0xFFFF9C00  }
0x1e: {  	v0 =	vld [tilespmem:s31+$0x8030]  }
0x1f: {  	v1 =	vld [tilespmem:s31+$0x80B0]  }
0x20: {  	v2 =	vld [tilespmem:s31+$0x8130]  }
0x21: {  	v3 =	vld [tilespmem:s31+$0x81B0]  }
0x22: {  	v4 =	vld [tilespmem:s31+$0x8230]  }
0x23: {  	v5 =	vld [tilespmem:s31+$0x82B0]  }
0x24: {  	v6 =	vld [tilespmem:s31+$0x8330]  }
0x25: {  	v7 =	vld [tilespmem:s31+$0x83B0]  }
0x26: {  	v8 =	vld [tilespmem:s31+$0x8000]  }
0x27: {  	v9 =	vld [tilespmem:s31+$0x8080]  }
0x28: {  	v10 =	vld [tilespmem:s31+$0x8100]  }
0x29: {  	v11 =	vld [tilespmem:s31+$0x8180]  }
0x2a: {  	v12 =	vld [tilespmem:s31+$0x8200]  }
0x2b: {  	v13 =	vld [tilespmem:s31+$0x8280]  }
0x2c: {  	v14 =	vld [tilespmem:s31+$0x8300]  }
0x2d: {  	v15 =	vld [tilespmem:s31+$0x8380]  }
0x2e: {  	v16 =	vld [tilespmem:s31+$0x8010]  }
0x2f: {  	v17 =	vld [tilespmem:s31+$0x8090]  }
0x30: {  	v18 =	vld [tilespmem:s31+$0x8110]  }
0x31: {  	v19 =	vld [tilespmem:s31+$0x8190]  }
0x32: {  	v20 =	vld [tilespmem:s31+$0x8210]  }
0x33: {  	v21 =	vld [tilespmem:s31+$0x8290]  }
0x34: {  	v22 =	vld [tilespmem:s31+$0x8310]  }
0x35: {  	v23 =	vld [tilespmem:s31+$0x8120];
	v0 =	vadd.f32 v1, v0  }
0x36: {  	v1 =	vadd.f32 v3, v2;
	v2 =	vld [tilespmem:s31+$0x8390];
	v3 =	vadd.f32 v5, v4  }
0x37: {  	v4 =	vadd.f32 v7, v6;
	v6 =	vld [tilespmem:s31+$0x8020];
	v5 =	vadd.f32 v13, v12  }
0x38: {  	v7 =	vld [tilespmem:s31+$0x80A0];
	v12 =	vadd.f32 v19, v18;
	v0 =	vadd.f32 v1, v0  }
0x39: {  	v13 =	vld [tilespmem:s31+$0x82A0];
	v1 =	vadd.f32 v4, v3;
	v3 =	vadd.f32 v9, v8  }
0x3a: {  	v4 =	vadd.f32 v11, v10;
	v8 =	vld [tilespmem:s31+$0x81A0];
	v9 =	vadd.f32 v15, v14  }
0x3b: {  	v10 =	vld [tilespmem:s31+$0x8220];
	v11 =	vadd.f32 v17, v16;
	v14 =	vadd.f32 v21, v20  }
0x3c: {  	v15 =	vld [tilespmem:s31+$0x8320];
	v3 =	vadd.f32 v4, v3;
	v5 =	vadd.f32 v9, v5  }
0x3d: {  	s22 =	simm.s32 $0x400;
	v9 =	vld [tilespmem:s31+$0x83A0];
	v11 =	vadd.f32 v12, v11;
	v2 =	vadd.f32 v2, v22  }
0x3e: {  	v4 =	vld [tilespmem:s22+$0x8030];
	v0 =	vadd.f32 v1, v0;
	v12 =	vadd.f32 v7, v6  }
0x3f: {  	v6 =	vld [tilespmem:s22+$0x8130];
	v1 =	vadd.f32 v5, v3;
	v3 =	vimm.f32 $0.0e+00;
	v2 =	vadd.f32 v2, v14  }
0x40: {  	v7 =	vld [tilespmem:s22+$0x8230];
	v0 =	vadd.f32 v0, v3  }
0x41: {  	v5 =	vld [tilespmem:s22+$0x80B0];
	v14 =	vadd.f32 v2, v11;
	v11 =	vadd.f32 v8, v23  }
0x42: {  	v13 =	vadd.f32 v13, v10;
	v10 =	vld [tilespmem:s22+$0x8330];
	v15 =	vadd.f32 v9, v15  }
0x43: {  	v8 =	vld [tilespmem:s22+$0x81B0];
	v2 =	vadd.f32 v1, v3;
	v11 =	vadd.f32 v11, v12  }
0x44: {  	s23 =	simm.s32 $0x2000;
	v9 =	vld [tilespmem:s22+$0x82B0];
	v1 =	vadd.f32 v14, v3;
	v12 =	vadd.f32 v15, v13  }
.LBB2_3:
0x45: {  	p0 =	sne.s32 s23, $0x18000;
	v13 =	vld [tilespmem:s22+$0x83B0]  }
0x46: {  	v14 =	vld [tilespmem:s22+$0x8000];
	v11 =	vadd.f32 v12, v11  }
0x47: {  	v12 =	vld [tilespmem:s22+$0x8080]  }
0x48: {  	v15 =	vld [tilespmem:s22+$0x8100];
	v3 =	vadd.f32 v11, v3  }
0x49: {  	v4 =	vadd.f32 v5, v4;
	v5 =	vadd.f32 v8, v6;
	v11 =	vld [tilespmem:s22+$0x8180]  }
0x4a: {  	v7 =	vadd.f32 v9, v7;
	v6 =	vld [tilespmem:s22+$0x8200];
	v8 =	vadd.f32 v13, v10  }
0x4b: {  	v9 =	vld [tilespmem:s22+$0x8280]  }
0x4c: {  	v4 =	vadd.f32 v5, v4;
	v10 =	vld [tilespmem:s22+$0x8300];
	v5 =	vadd.f32 v8, v7  }
0x4d: {  	v8 =	vadd.f32 v12, v14;
	v7 =	vld [tilespmem:s22+$0x8380]  }
0x4e: {  	v11 =	vadd.f32 v11, v15;
	v12 =	vld [tilespmem:s22+$0x8010];
	v4 =	vadd.f32 v5, v4  }
0x4f: {  	v5 =	vld [tilespmem:s22+$0x8090]  }
0x50: {  	v6 =	vadd.f32 v9, v6;
	v9 =	vld [tilespmem:s22+$0x8110];
	v0 =	vadd.f32 v4, v0  }
0x51: {  	v4 =	vadd.f32 v11, v8;
	v8 =	vld [tilespmem:s22+$0x8190]  }
0x52: {  	v7 =	vadd.f32 v7, v10;
	v10 =	vld [tilespmem:s22+$0x8210]  }
0x53: {  	v11 =	vld [tilespmem:s22+$0x8290]  }
0x54: {  	v6 =	vadd.f32 v7, v6;
	v7 =	vld [tilespmem:s22+$0x8310];
	v5 =	vadd.f32 v5, v12  }
0x55: {  	v12 =	vld [tilespmem:s22+$0x8390]  }
0x56: {  	v4 =	vadd.f32 v6, v4;
	v6 =	vadd.f32 v8, v9;
	v8 =	vld [tilespmem:s22+$0x8020]  }
0x57: {  	v9 =	vld [tilespmem:s22+$0x80A0]  }
0x58: {  	v5 =	vadd.f32 v6, v5;
	v6 =	vadd.f32 v11, v10;
	v10 =	vld [tilespmem:s22+$0x8120]  }
0x59: {  	v2 =	vadd.f32 v4, v2;
	v11 =	vld [tilespmem:s22+$0x81A0]  }
0x5a: {  	v4 =	vadd.f32 v12, v7;
	v7 =	vld [tilespmem:s22+$0x8220]  }
0x5b: {  	v12 =	vld [tilespmem:s22+$0x82A0]  }
0x5c: {  	v6 =	vadd.f32 v4, v6;
	v13 =	vld [tilespmem:s22+$0x8320];
	v8 =	vadd.f32 v9, v8  }
0x5d: {  	v9 =	vld [tilespmem:s22+$0x83A0];
	s22 =	sshra.s32 s23, $0x2  }
0x5e: {  	v4 =	vld [tilespmem:s22+$0x8030];
	v14 =	vadd.f32 v6, v5;
	v10 =	vadd.f32 v11, v10  }
0x5f: {  	v5 =	vld [tilespmem:s22+$0x80B0]  }
.Ltmp0:
0x60: {  	v6 =	vld [tilespmem:s22+$0x8130];
	v11 =	vadd.f32 v10, v8;
	v12 =	vadd.f32 v12, v7;
	(pc) =	sbr.rel @p0 .LBB2_3-.Ltmp0, $4  }
0x61: {  	v1 =	vadd.f32 v14, v1;
	v8 =	vld [tilespmem:s22+$0x81B0]  }
0x62: {  	v7 =	vld [tilespmem:s22+$0x8230];
	v13 =	vadd.f32 v9, v13  }
0x63: {  	v9 =	vld [tilespmem:s22+$0x82B0]  }
0x64: {  	s23 =	sadd.s32 $0x1000, s23;
	v10 =	vld [tilespmem:s22+$0x8330];
	v12 =	vadd.f32 v13, v12  }
0x65: {  	v13 =	vld [tilespmem:s22+$0x83B0]  }
0x66: {  	v14 =	vld [tilespmem:s22+$0x8000]  }
0x67: {  	v15 =	vld [tilespmem:s22+$0x8080]  }
0x68: {  	v16 =	vld [tilespmem:s22+$0x8100]  }
0x69: {  	v17 =	vld [tilespmem:s22+$0x8180]  }
0x6a: {  	v18 =	vld [tilespmem:s22+$0x8200]  }
0x6b: {  	v19 =	vld [tilespmem:s22+$0x8280]  }
0x6c: {  	v20 =	vld [tilespmem:s22+$0x8300]  }
0x6d: {  	v21 =	vld [tilespmem:s22+$0x8380]  }
0x6e: {  	v22 =	vld [tilespmem:s22+$0x8010]  }
0x6f: {  	v23 =	vld [tilespmem:s22+$0x8090]  }
0x70: {  	v24 =	vld [tilespmem:s22+$0x8110]  }
0x71: {  	v25 =	vld [tilespmem:s22+$0x8190]  }
0x72: {  	v26 =	vld [tilespmem:s22+$0x8210]  }
0x73: {  	v27 =	vld [tilespmem:s22+$0x8290]  }
0x74: {  	v28 =	vld [tilespmem:s22+$0x8310]  }
0x75: {  	v29 =	vld [tilespmem:s22+$0x8390]  }
0x76: {  	v30 =	vld [tilespmem:s22+$0x80A0];
	v11 =	vadd.f32 v12, v11  }
0x77: {  	v4 =	vadd.f32 v5, v4;
	v53 =	vld [tilespmem:s22+$0x82A0];
	v5 =	vadd.f32 v8, v6  }
0x78: {  	v12 =	vld [tilespmem:s22+$0x8020];
	v3 =	vadd.f32 v11, v3  }
0x79: {  	v6 =	vld [tilespmem:s22+$0x81A0];
	v7 =	vadd.f32 v9, v7;
	v4 =	vadd.f32 v5, v4  }
0x7a: {  	v11 =	vld [tilespmem:s22+$0x8120];
	v8 =	vadd.f32 v15, v14;
	v14 =	vadd.f32 v17, v16  }
0x7b: {  	v15 =	vld [tilespmem:s22+$0x8220];
	v51 =	vadd.f32 v19, v18;
	v52 =	vadd.f32 v21, v20  }
0x7c: {  	v9 =	vadd.f32 v13, v10;
	v10 =	vld [tilespmem:s22+$0x8320];
	v5 =	vadd.f32 v23, v22  }
0x7d: {  	v54 =	vadd.f32 v27, v26;
	v8 =	vadd.f32 v14, v8;
	v14 =	vld [tilespmem:s22+$0x83A0]  }
0x7e: {  	v55 =	vadd.f32 v29, v28;
	v13 =	vadd.f32 v52, v51  }
0x7f: {  	v12 =	vadd.f32 v30, v12;
	v7 =	vadd.f32 v9, v7  }
0x80: {  	v6 =	vadd.f32 v6, v11;
	v8 =	vadd.f32 v13, v8  }
0x81: {  	v13 =	vadd.f32 v25, v24;
	v4 =	vadd.f32 v7, v4  }
0x82: {  	v11 =	vadd.f32 v53, v15;
	v10 =	vadd.f32 v14, v10  }
0x83: {  	v5 =	vadd.f32 v13, v5;
	v13 =	vadd.f32 v55, v54  }
0x84: {  	v6 =	vadd.f32 v6, v12;
	v10 =	vadd.f32 v10, v11  }
0x85: {  	p0 =	seq.s32 s20, $0x3F;
	v2 =	vadd.f32 v8, v2;
	v5 =	vadd.f32 v13, v5  }
0x86: {  	s21 =	sand.u32 $0x3FFFFF00, s21;
	s22 =	sshll.u32 @!p0 s20, $0x1;
	v0 =	vadd.f32 v4, v0;
	v6 =	vadd.f32 v10, v6  }
0x87: {  	s22 =	sadd.s32 @!p0 $0x2, s22;
	[tilespmem:s21+$0x14800] =	vst v2;
	v1 =	vadd.f32 v5, v1  }
0x88: {  	s23 =	sshll.u32 @!p0 s22, $0x8;
	s22 =	sshll.u32 @!p0 s22, $0x7;
	[tilespmem:s21+$0x14830] =	vst v0;
	v3 =	vadd.f32 v6, v3  }
0x89: {  	s23 =	sand.u32 @!p0 $0xF800, s23;
	s22 =	sand.u32 @!p0 $0x300, s22;
	[tilespmem:s21+$0x14810] =	vst v1  }
0x8a: {  	[tilespmem:s21+$0x14820] =	vst v3;
	s21 =	sor.u32 @!p0 s22, s23;
	s22 =	simm.s32 @!p0 $0x80;
	s23 =	simm.s32 @!p0 $0x8000  }
0x8b: {  	[tilespmem:s23], [sflag:$0x1] =	stream.indirect.gather @!p0 [hbm4b:s3+s22], $0x80, s21, s22, $0xb8;
	[tilespmem:$0x18800] =	vst v63  }
0x8c: {  	s21 =	sor.u32 @!p0 $0x400, s21;
	s22 =	simm.s32 @!p0 $0x48;
	s23 =	simm.s32 @!p0 $0xC000  }
0x8d: {  	[tilespmem:s23], [sflag:$0x1] =	stream.indirect.gather @!p0 [hbm4b:s3+s22], $0x80, s21, s22, $0xb8;
	[tilespmem:$0x18800] =	vst v63  }
0x8e: {  	_ =	swait.ge [sflag:s16], $0x6400  }
0x8f: {  	[sflag:s16] =	ssyncset.done $0x0  }
0x90: {  	s31 =	simm.s32 $0x0;
	[sflag:s16] =	ssyncadd.s32 $0xFFFF9C00  }
0x91: {  	v0 =	vld [tilespmem:s31+$0xE430]  }
0x92: {  	v1 =	vld [tilespmem:s31+$0xE4B0]  }
0x93: {  	v2 =	vld [tilespmem:s31+$0xE530]  }
0x94: {  	v3 =	vld [tilespmem:s31+$0xE5B0]  }
0x95: {  	v4 =	vld [tilespmem:s31+$0xE630]  }
0x96: {  	v5 =	vld [tilespmem:s31+$0xE6B0]  }
0x97: {  	v6 =	vld [tilespmem:s31+$0xE730]  }
0x98: {  	v7 =	vld [tilespmem:s31+$0xE7B0]  }
0x99: {  	v8 =	vld [tilespmem:s31+$0xE400]  }
0x9a: {  	v9 =	vld [tilespmem:s31+$0xE480]  }
0x9b: {  	v10 =	vld [tilespmem:s31+$0xE500]  }
0x9c: {  	v11 =	vld [tilespmem:s31+$0xE580]  }
0x9d: {  	v12 =	vld [tilespmem:s31+$0xE600]  }
0x9e: {  	v13 =	vld [tilespmem:s31+$0xE680]  }
0x9f: {  	v14 =	vld [tilespmem:s31+$0xE700]  }
0xa0: {  	v15 =	vld [tilespmem:s31+$0xE780]  }
0xa1: {  	v56 =	vld [tilespmem:s31+$0xE410]  }
0xa2: {  	v57 =	vld [tilespmem:s31+$0xE490]  }
0xa3: {  	v58 =	vld [tilespmem:s31+$0xE510]  }
0xa4: {  	v59 =	vld [tilespmem:s31+$0xE590]  }
0xa5: {  	v60 =	vld [tilespmem:s31+$0xE610]  }
0xa6: {  	v61 =	vld [tilespmem:s31+$0xE690]  }
0xa7: {  	v62 =	vld [tilespmem:s31+$0xE710]  }
0xa8: {  	v63 =	vld [tilespmem:s31+$0xE520];
	v0 =	vadd.f32 v1, v0;
	v1 =	vadd.f32 v3, v2  }
0xa9: {  	v2 =	vld [tilespmem:s31+$0xE790];
	v3 =	vadd.f32 v5, v4;
	v4 =	vadd.f32 v7, v6  }
0xaa: {  	v6 =	vld [tilespmem:s31+$0xE420]  }
0xab: {  	v7 =	vld [tilespmem:s31+$0xE4A0];
	v0 =	vadd.f32 v1, v0;
	v1 =	vadd.f32 v4, v3  }
0xac: {  	v3 =	vadd.f32 v9, v8;
	v4 =	vadd.f32 v11, v10;
	v8 =	vld [tilespmem:s31+$0xE5A0]  }
0xad: {  	v5 =	vadd.f32 v59, v58;
	v9 =	vld [tilespmem:s31+$0xE620];
	v0 =	vadd.f32 v1, v0  }
0xae: {  	v11 =	vld [tilespmem:s31+$0xE6A0];
	v1 =	vadd.f32 v13, v12;
	v10 =	vadd.f32 v4, v3  }
0xaf: {  	v3 =	vadd.f32 v15, v14;
	v4 =	vadd.f32 v57, v56;
	v12 =	vld [tilespmem:s31+$0xE720]  }
0xb0: {  	s21 =	simm.s32 $0x400;
	v13 =	vadd.f32 v61, v60;
	v14 =	vld [tilespmem:s31+$0xE7A0];
	v2 =	vadd.f32 v2, v62  }
0xb1: {  	v1 =	vadd.f32 v3, v1;
	v3 =	vimm.f32 $0.0e+00;
	v15 =	vadd.f32 v5, v4;
	v4 =	vld [tilespmem:s21+$0xE430]  }
0xb2: {  	v5 =	vld [tilespmem:s21+$0xE4B0];
	v0 =	vadd.f32 v0, v3;
	v2 =	vadd.f32 v2, v13  }
0xb3: {  	v13 =	vadd.f32 v8, v63;
	v8 =	vld [tilespmem:s21+$0xE5B0];
	v1 =	vadd.f32 v1, v10  }
0xb4: {  	v10 =	vadd.f32 v7, v6;
	v6 =	vld [tilespmem:s21+$0xE530];
	v2 =	vadd.f32 v2, v15  }
0xb5: {  	v7 =	vld [tilespmem:s21+$0xE630];
	v15 =	vadd.f32 v11, v9;
	v12 =	vadd.f32 v14, v12  }
0xb6: {  	v9 =	vld [tilespmem:s21+$0xE6B0];
	v1 =	vadd.f32 v1, v3;
	v11 =	vadd.f32 v13, v10  }
0xb7: {  	s20 =	sadd.s32 $0x1, s20;
	s22 =	simm.s32 $0x2000;
	v10 =	vld [tilespmem:s21+$0xE730];
	v2 =	vadd.f32 v2, v3;
	v12 =	vadd.f32 v12, v15  }
.LBB2_5:
0xb8: {  	p0 =	sne.s32 s22, $0x18000;
	v13 =	vld [tilespmem:s21+$0xE7B0]  }
0xb9: {  	v14 =	vld [tilespmem:s21+$0xE400];
	v11 =	vadd.f32 v12, v11  }
0xba: {  	v12 =	vld [tilespmem:s21+$0xE480]  }
0xbb: {  	v15 =	vld [tilespmem:s21+$0xE500];
	v3 =	vadd.f32 v11, v3  }
0xbc: {  	v4 =	vadd.f32 v5, v4;
	v5 =	vadd.f32 v8, v6;
	v11 =	vld [tilespmem:s21+$0xE580]  }
0xbd: {  	v7 =	vadd.f32 v9, v7;
	v6 =	vld [tilespmem:s21+$0xE600];
	v8 =	vadd.f32 v13, v10  }
0xbe: {  	v9 =	vld [tilespmem:s21+$0xE680]  }
0xbf: {  	v4 =	vadd.f32 v5, v4;
	v10 =	vld [tilespmem:s21+$0xE700];
	v5 =	vadd.f32 v8, v7  }
0xc0: {  	v8 =	vadd.f32 v12, v14;
	v7 =	vld [tilespmem:s21+$0xE780]  }
0xc1: {  	v11 =	vadd.f32 v11, v15;
	v12 =	vld [tilespmem:s21+$0xE410];
	v4 =	vadd.f32 v5, v4  }
0xc2: {  	v5 =	vld [tilespmem:s21+$0xE490]  }
0xc3: {  	v6 =	vadd.f32 v9, v6;
	v9 =	vld [tilespmem:s21+$0xE510];
	v0 =	vadd.f32 v4, v0  }
0xc4: {  	v4 =	vadd.f32 v11, v8;
	v8 =	vld [tilespmem:s21+$0xE590]  }
0xc5: {  	v7 =	vadd.f32 v7, v10;
	v10 =	vld [tilespmem:s21+$0xE610]  }
0xc6: {  	v11 =	vld [tilespmem:s21+$0xE690]  }
0xc7: {  	v6 =	vadd.f32 v7, v6;
	v7 =	vld [tilespmem:s21+$0xE710];
	v5 =	vadd.f32 v5, v12  }
0xc8: {  	v12 =	vld [tilespmem:s21+$0xE790]  }
0xc9: {  	v4 =	vadd.f32 v6, v4;
	v6 =	vadd.f32 v8, v9;
	v8 =	vld [tilespmem:s21+$0xE420]  }
0xca: {  	v9 =	vld [tilespmem:s21+$0xE4A0]  }
0xcb: {  	v5 =	vadd.f32 v6, v5;
	v6 =	vadd.f32 v11, v10;
	v10 =	vld [tilespmem:s21+$0xE520]  }
0xcc: {  	v1 =	vadd.f32 v4, v1;
	v11 =	vld [tilespmem:s21+$0xE5A0]  }
0xcd: {  	v4 =	vadd.f32 v12, v7;
	v7 =	vld [tilespmem:s21+$0xE620]  }
0xce: {  	v12 =	vld [tilespmem:s21+$0xE6A0]  }
0xcf: {  	v6 =	vadd.f32 v4, v6;
	v13 =	vld [tilespmem:s21+$0xE720];
	v8 =	vadd.f32 v9, v8  }
0xd0: {  	v9 =	vld [tilespmem:s21+$0xE7A0];
	s21 =	sshra.s32 s22, $0x2  }
0xd1: {  	v4 =	vld [tilespmem:s21+$0xE430];
	v14 =	vadd.f32 v6, v5;
	v10 =	vadd.f32 v11, v10  }
0xd2: {  	v5 =	vld [tilespmem:s21+$0xE4B0]  }
.Ltmp1:
0xd3: {  	v6 =	vld [tilespmem:s21+$0xE530];
	v11 =	vadd.f32 v10, v8;
	v12 =	vadd.f32 v12, v7;
	(pc) =	sbr.rel @p0 .LBB2_5-.Ltmp1, $4  }
0xd4: {  	v2 =	vadd.f32 v14, v2;
	v8 =	vld [tilespmem:s21+$0xE5B0]  }
0xd5: {  	v7 =	vld [tilespmem:s21+$0xE630];
	v13 =	vadd.f32 v9, v13  }
0xd6: {  	v9 =	vld [tilespmem:s21+$0xE6B0]  }
0xd7: {  	s22 =	sadd.s32 $0x1000, s22;
	v10 =	vld [tilespmem:s21+$0xE730];
	v12 =	vadd.f32 v13, v12  }
0xd8: {  	v13 =	vld [tilespmem:s21+$0xE7B0]  }
0xd9: {  	v14 =	vld [tilespmem:s21+$0xE400]  }
0xda: {  	v15 =	vld [tilespmem:s21+$0xE480]  }
0xdb: {  	v16 =	vld [tilespmem:s21+$0xE500]  }
0xdc: {  	v17 =	vld [tilespmem:s21+$0xE580]  }
0xdd: {  	v18 =	vld [tilespmem:s21+$0xE600]  }
0xde: {  	v19 =	vld [tilespmem:s21+$0xE680]  }
0xdf: {  	v20 =	vld [tilespmem:s21+$0xE700]  }
0xe0: {  	v21 =	vld [tilespmem:s21+$0xE780]  }
0xe1: {  	v22 =	vld [tilespmem:s21+$0xE410]  }
0xe2: {  	v23 =	vld [tilespmem:s21+$0xE490]  }
0xe3: {  	v24 =	vld [tilespmem:s21+$0xE510]  }
0xe4: {  	v25 =	vld [tilespmem:s21+$0xE590]  }
0xe5: {  	v26 =	vld [tilespmem:s21+$0xE610]  }
0xe6: {  	v27 =	vld [tilespmem:s21+$0xE690]  }
0xe7: {  	v28 =	vld [tilespmem:s21+$0xE710]  }
0xe8: {  	v29 =	vld [tilespmem:s21+$0xE790]  }
0xe9: {  	v44 =	vld [tilespmem:s21+$0xE420]  }
0xea: {  	v30 =	vld [tilespmem:s21+$0xE4A0]  }
0xeb: {  	v45 =	vld [tilespmem:s21+$0xE520];
	v11 =	vadd.f32 v12, v11  }
0xec: {  	v4 =	vadd.f32 v5, v4;
	v47 =	vld [tilespmem:s21+$0xE5A0];
	v46 =	vadd.f32 v8, v6  }
0xed: {  	v50 =	vld [tilespmem:s21+$0xE620];
	v3 =	vadd.f32 v11, v3  }
0xee: {  	v53 =	vld [tilespmem:s21+$0xE6A0];
	v7 =	vadd.f32 v9, v7;
	v4 =	vadd.f32 v46, v4  }
0xef: {  	v55 =	vld [tilespmem:s21+$0xE720];
	v48 =	vadd.f32 v15, v14;
	v49 =	vadd.f32 v17, v16  }
0xf0: {  	v57 =	vld [tilespmem:s21+$0xE7A0];
	v51 =	vadd.f32 v19, v18;
	v52 =	vadd.f32 v21, v20  }
0xf1: {  	v54 =	vadd.f32 v13, v10;
	v58 =	vadd.f32 v23, v22  }
0xf2: {  	v59 =	vadd.f32 v25, v24;
	v60 =	vadd.f32 v27, v26  }
0xf3: {  	v61 =	vadd.f32 v29, v28;
	v12 =	vadd.f32 v30, v44  }
0xf4: {  	v6 =	vadd.f32 v47, v45;
	v62 =	vadd.f32 v53, v50  }
0xf5: {  	v10 =	vadd.f32 v57, v55;
	v8 =	vadd.f32 v49, v48  }
0xf6: {  	v56 =	vadd.f32 v52, v51;
	v5 =	vadd.f32 v59, v58  }
0xf7: {  	v63 =	vadd.f32 v61, v60;
	v6 =	vadd.f32 v6, v12  }
0xf8: {  	v10 =	vadd.f32 v10, v62;
	v8 =	vadd.f32 v56, v8  }
0xf9: {  	v7 =	vadd.f32 v54, v7;
	v5 =	vadd.f32 v63, v5  }
0xfa: {  	p0 =	sne.s32 s20, $0x40;
	v6 =	vadd.f32 v10, v6;
	v1 =	vadd.f32 v8, v1  }
.Ltmp2:
0xfb: {  	v4 =	vadd.f32 v7, v4;
	v2 =	vadd.f32 v5, v2;
	(pc) =	sbr.rel @p0 .LBB2_2-.Ltmp2, $4  }
0xfc: {  	v3 =	vadd.f32 v6, v3;
	[tilespmem:s19+$0x14800] =	vst v1  }
0xfd: {  	v0 =	vadd.f32 v4, v0;
	[tilespmem:s19+$0x14810] =	vst v2  }
0xfe: {  	[tilespmem:s19+$0x14820] =	vst v3  }
0xff: {  	[tilespmem:s19+$0x14830] =	vst v0  }
0x100: {  	s18 =	sadd.s32 $0x1, s18  }
0x101: {  	p0 =	sne.s32 s18, s6  }
.Ltmp3:
0x102: {  	_ = 	snop;
	(pc) =	sbr.rel @p0 .LBB2_1-.Ltmp3, $4  }
0x103: {  	[hbm4b:s5+s2] =	stream.linear.scatter [tilespmem:s17], [sflag:$0x3], $0x4000, $0x38;
	[tilespmem:$0x18800] =	vst v63  }
0x104: {  	_ =	swait.ge [sflag:s7], $0x4000  }
0x105: {  	[sflag:s7] =	ssyncset.done $0x0  }
0x106: {  	[sflag:s7] =	ssyncadd.s32 $0xFFFFC000  }
0x107: {  	_ =	sfence.sel $0x180000  }
0x108: {  	[bflag:$0x0] =	sbarrier.arrive $0xFFFF  }
0x109: {  	p0 =	sne.s32 s1, $0x0;
	_ =	strace $0x90000047  }
0x10a: {  	s0 =	sadd.s32 @!p0 $0x100000, s0;
	[bflag:$0x2] =	sbarrier.arrive $0xFFFF  }
0x10b: {  	[sflag:s0] =	ssyncadd.tile.s32 @!p0 $0x1;
	_ =	shalt  }
.Lfunc_end2:
_tile_overlayer_lowered:
.L_overlay_start_2:
0x10c: {  	(tag) =	ssettag $0x2  }
0x10d: {  	s0 =	rddreg [dreg:$0x0];
	s2 =	stileid.u32  }
0x10e: {  	s1 =	rddreg [dreg:$0x1];
	p0 =	sne.s32 s2, $0x0  }
0x10f: {  	s3 =	rddreg [dreg:$0x2];
	[bflag:$0x3] =	sbarrier.arrive $0xFFFF;
	s2 =	simm.s32 @!p0 $0x1C03  }
0x110: {  	[timem:s3], [sflag:s2] =	dma.local @!p0 [hbm:s0], s1  }
0x111: {  	s0 =	simm.s32 @!p0 $0x3  }
0x112: {  	_ =	swait.ge @!p0 [sflag:s0], s1  }
0x113: {  	s1 =	ssub.s32 @!p0 $0x0, s1;
	[sflag:s0] =	ssyncset.done @!p0 $0x0  }
0x114: {  	[sflag:s0] =	ssyncadd.s32 @!p0 s1  }
0x115: {  	[bflag:$0x3] =	sbarrier.arrive $0xFFFF  }
0x116: {  	_ =	shalt  }

</sc_bundles>
